<compile_context>
chip_gen: v7x
topology: tpu7x:2x2x1
jax: 0.10.2.dev20260603
libtpu: 0.0.44.dev20260713+nightly
codegen_flags: <defaults>
</compile_context>

<pallas_src>
import functools

import jax
import jax.numpy as jnp
from jax import lax
from jax.experimental import pallas as pl
from jax.experimental.pallas import tpu as pltpu
from jax.experimental.pallas import tpu_sc as plsc

_S, _D, _H, _O = 2048, 1024, 1024, 1024
_E, _K = 8, 2
_TILE = 128
_CR = _S * _K + _E * _TILE
_NT = _CR // _TILE
_RTS = 256

_NC, _NS = 2, 16
_NW = _NC * _NS
_TB = _S // _NW


def _router_body(x_ref, wr_ref, br_ref,
                 logits_ref, idx_ref, wn1_ref, wn2_ref, pos_ref, te_ref):
    xt = x_ref[...]
    l = jnp.dot(xt, wr_ref[...], preferred_element_type=jnp.float32) + br_ref[...]
    logits_ref[...] = l
    m = jnp.max(l, axis=1, keepdims=True)
    e = jnp.exp(l - m)
    w = e / jnp.sum(e, axis=1, keepdims=True)
    iota8 = lax.broadcasted_iota(jnp.int32, (_S, _E), 1)
    w1 = jnp.max(w, axis=1, keepdims=True)
    i1 = jnp.min(jnp.where(w == w1, iota8, _E), axis=1, keepdims=True)
    wm = jnp.where(iota8 == i1, -1.0, w)
    w2 = jnp.max(wm, axis=1, keepdims=True)
    i2 = jnp.min(jnp.where(wm == w2, iota8, _E), axis=1, keepdims=True)
    s = w1 + w2
    idx_ref[...] = jnp.concatenate([i1, i2], axis=1)
    wn1_ref[...] = w1 / s
    wn2_ref[...] = w2 / s

    oh1 = (iota8 == i1).astype(jnp.float32)
    oh2 = (iota8 == i2).astype(jnp.float32)
    oh = oh1 + oh2
    rt = lax.broadcasted_iota(jnp.int32, (_S, _S), 0)
    ct = lax.broadcasted_iota(jnp.int32, (_S, _S), 1)
    tril = (ct < rt).astype(jnp.float32)
    pfx = jnp.dot(tril, oh, preferred_element_type=jnp.float32)
    rank1 = jnp.sum(pfx * oh1, axis=1, keepdims=True)
    rank2 = jnp.sum(pfx * oh2, axis=1, keepdims=True)
    counts = jnp.sum(oh, axis=0, keepdims=True)
    pcf = jnp.floor((counts + (_TILE - 1.0)) / _TILE) * _TILE
    pcb = jnp.broadcast_to(pcf, (_S, _E))
    po1 = jnp.sum(jnp.where(iota8 < i1, pcb, 0.0), axis=1, keepdims=True)
    po2 = jnp.sum(jnp.where(iota8 < i2, pcb, 0.0), axis=1, keepdims=True)
    pos1 = (po1 + rank1).astype(jnp.int32)
    pos2 = (po2 + rank2).astype(jnp.int32)
    pos_ref[...] = jnp.concatenate([pos1, pos2], axis=1)

    u8 = (lax.broadcasted_iota(jnp.int32, (_E, _E), 0)
          <= lax.broadcasted_iota(jnp.int32, (_E, _E), 1)).astype(jnp.float32)
    ends = jnp.dot(pcf, u8, preferred_element_type=jnp.float32)
    starts = jnp.broadcast_to(
        lax.broadcasted_iota(jnp.int32, (_NT, 1), 0).astype(jnp.float32)
        * _TILE, (_NT, _E))
    te = jnp.sum((jnp.broadcast_to(ends, (_NT, _E)) <= starts)
                 .astype(jnp.int32), axis=1, keepdims=True)
    te_ref[...] = jnp.minimum(te, _E - 1)


def _router(x2, Wr, br):
    return pl.pallas_call(
        _router_body,
        out_shape=[
            jax.ShapeDtypeStruct((_S, _E), jnp.float32),
            jax.ShapeDtypeStruct((_S, _K), jnp.int32),
            jax.ShapeDtypeStruct((_S, 1), jnp.float32),
            jax.ShapeDtypeStruct((_S, 1), jnp.float32),
            jax.ShapeDtypeStruct((_S, _K), jnp.int32),
            jax.ShapeDtypeStruct((_NT, 1), jnp.int32),
        ],
    )(x2, Wr, br.reshape(1, _E))


def _dispatch_body(x_hbm, pos_hbm, xs_hbm, idx_v, xbuf, s1, s2):
    wid = lax.axis_index("s") * _NC + lax.axis_index("c")
    base = wid * _TB
    pltpu.sync_copy(pos_hbm.at[wid], idx_v)
    pltpu.sync_copy(x_hbm.at[pl.ds(base, _TB)], xbuf)
    d1 = pltpu.async_copy(xbuf, xs_hbm.at[idx_v.at[0]], s1)
    d2 = pltpu.async_copy(xbuf, xs_hbm.at[idx_v.at[1]], s2)
    d1.wait()
    d2.wait()


def _dispatch(x2, pos_w):
    return pl.kernel(
        _dispatch_body,
        mesh=plsc.VectorSubcoreMesh(core_axis_name="c", subcore_axis_name="s"),
        out_type=jax.ShapeDtypeStruct((_CR, _D), jnp.float32),
        scratch_types=[
            pltpu.VMEM((_K, _TB), jnp.int32),
            pltpu.VMEM((_TB, _D), jnp.float32),
            pltpu.SemaphoreType.DMA,
            pltpu.SemaphoreType.DMA,
        ],
    )(x2, pos_w)


def _gather2_body(ys_hbm, pos_hbm, g1_hbm, g2_hbm, idx_v, buf, s1):
    wid = lax.axis_index("s") * _NC + lax.axis_index("c")
    base = wid * _TB
    pltpu.sync_copy(pos_hbm.at[wid], idx_v)
    half = _TB // 2
    for k, out_hbm in ((0, g1_hbm), (1, g2_hbm)):
        for c in range(2):
            pltpu.async_copy(
                ys_hbm.at[idx_v.at[k, pl.ds(c * half, half)]], buf, s1).wait()
            pltpu.sync_copy(buf, out_hbm.at[pl.ds(base + c * half, half)])


def _gather2(ys, pos_w):
    return pl.kernel(
        _gather2_body,
        mesh=plsc.VectorSubcoreMesh(core_axis_name="c", subcore_axis_name="s"),
        out_type=[
            jax.ShapeDtypeStruct((_S, _O), jnp.float32),
            jax.ShapeDtypeStruct((_S, _O), jnp.float32),
        ],
        scratch_types=[
            pltpu.VMEM((_K, _TB), jnp.int32),
            pltpu.VMEM((_TB // 2, _O), jnp.float32),
            pltpu.SemaphoreType.DMA,
        ],
    )(ys, pos_w)


def _grouped_ffn_body(te_ref, ysh_ref, xs_ref, gw_ref, vw_ref, ow_ref, ob_ref,
                      ys_ref):
    del te_ref, ysh_ref
    xt = xs_ref[...]
    g = jnp.dot(xt, gw_ref[0], preferred_element_type=jnp.float32)
    v = jnp.dot(xt, vw_ref[0], preferred_element_type=jnp.float32)
    h = (g * jax.nn.sigmoid(g)) * v
    ys_ref[...] = jnp.dot(h, ow_ref[0], preferred_element_type=jnp.float32) + ob_ref[0]


def _grouped_ffn(te, ysh, xs, egW, evW, eoW, eob):
    grid_spec = pltpu.PrefetchScalarGridSpec(
        num_scalar_prefetch=1,
        grid=(_NT,),
        in_specs=[
            pl.BlockSpec((8, 128), lambda i, te: (0, 0)),
            pl.BlockSpec((_TILE, _D), lambda i, te: (i, 0)),
            pl.BlockSpec((1, _D, _H), lambda i, te: (te[i], 0, 0)),
            pl.BlockSpec((1, _D, _H), lambda i, te: (te[i], 0, 0)),
            pl.BlockSpec((1, _H, _O), lambda i, te: (te[i], 0, 0)),
            pl.BlockSpec((1, 1, _O), lambda i, te: (te[i], 0, 0)),
        ],
        out_specs=pl.BlockSpec((_TILE, _O), lambda i, te: (i, 0)),
    )
    return pl.pallas_call(
        _grouped_ffn_body,
        grid_spec=grid_spec,
        out_shape=jax.ShapeDtypeStruct((_CR, _O), jnp.float32),
    )(te, ysh, xs, egW, evW, eoW, eob.reshape(_E, 1, _O))


def _shared_ffn_body(x_ref, gw_ref, vw_ref, ow_ref, ob_ref, y_ref):
    xt = x_ref[...]
    g = jnp.dot(xt, gw_ref[...], preferred_element_type=jnp.float32)
    v = jnp.dot(xt, vw_ref[...], preferred_element_type=jnp.float32)
    h = (g * jax.nn.sigmoid(g)) * v
    y_ref[...] = jnp.dot(h, ow_ref[...], preferred_element_type=jnp.float32) + ob_ref[...]


def _shared_ffn(x2, sgW, svW, soW, sob):
    return pl.pallas_call(
        _shared_ffn_body,
        grid=(_S // _RTS,),
        in_specs=[
            pl.BlockSpec((_RTS, _D), lambda i: (i, 0)),
            pl.BlockSpec((_D, _H), lambda i: (0, 0)),
            pl.BlockSpec((_D, _H), lambda i: (0, 0)),
            pl.BlockSpec((_H, _O), lambda i: (0, 0)),
            pl.BlockSpec((1, _O), lambda i: (0, 0)),
        ],
        out_specs=pl.BlockSpec((_RTS, _O), lambda i: (i, 0)),
        out_shape=jax.ShapeDtypeStruct((_S, _O), jnp.float32),
    )(x2, sgW, svW, soW, sob.reshape(1, _O))


def _combine_body(ysh_ref, g1_ref, g2_ref, wn1_ref, wn2_ref, y_ref):
    y_ref[...] = (ysh_ref[...] + wn1_ref[...] * g1_ref[...]
                  + wn2_ref[...] * g2_ref[...])


def _combine(ysh, g1, g2, wn1, wn2):
    return pl.pallas_call(
        _combine_body,
        grid=(_S // _RTS,),
        in_specs=[
            pl.BlockSpec((_RTS, _O), lambda i: (i, 0)),
            pl.BlockSpec((_RTS, _O), lambda i: (i, 0)),
            pl.BlockSpec((_RTS, _O), lambda i: (i, 0)),
            pl.BlockSpec((_RTS, 1), lambda i: (i, 0)),
            pl.BlockSpec((_RTS, 1), lambda i: (i, 0)),
        ],
        out_specs=pl.BlockSpec((_RTS, _O), lambda i: (i, 0)),
        out_shape=jax.ShapeDtypeStruct((_S, _O), jnp.float32),
    )(ysh, g1, g2, wn1, wn2)


def kernel(x, Wr, br, sgW, svW, soW, sob, egW, evW, eoW, eob):
    x2 = x.reshape(_S, _D)
    logits, topk_idx, wn1, wn2, pos, te = _router(x2, Wr, br)

    pos_w = pos.reshape(_NW, _TB, _K).transpose(0, 2, 1)

    xs = _dispatch(x2, pos_w)
    ysh = _shared_ffn(x2, sgW, svW, soW, sob)
    ys = _grouped_ffn(te.reshape(_NT), ysh, xs, egW, evW, eoW, eob)
    g1, g2 = _gather2(ys, pos_w)
    out = _combine(ysh, g1, g2, wn1, wn2)

    return (out.reshape(1, _S, _O),
            logits.reshape(1, _S, _E),
            topk_idx.reshape(1, _S, _K))

# --- scband reference (transcript-rebuilt; emitter-appended) ---
"""Pipeline reference for scband-mixture-of-experts-16466904613586 (READ-ONLY COPY).

The authoritative reference and input builder live on the scoring server;
editing this copy changes nothing except your own understanding.
"""

import jax, jax.numpy as jnp
import numpy as np

B = 1
S = 2048
D_MODEL = 1024
HIDDEN = 1024
OUT_DIM = 1024
NUM_EXPERTS = 8
TOP_K = 2


def setup_inputs(seed: int = 0) -> dict:
    key = jax.random.key(seed)
    ks = jax.random.split(key, 12)
    x = jax.random.normal(ks[0], (B, S, D_MODEL), dtype=jnp.float32)
    # linear router params (torch nn.Linear(input_dim, num_experts)); stored as [in, out]
    Wr = jax.random.normal(ks[1], (D_MODEL, NUM_EXPERTS), dtype=jnp.float32) * 0.02
    br = jnp.zeros((NUM_EXPERTS,), dtype=jnp.float32)
    # shared expert: SwiGLU(gate_proj, value_proj) + Linear(hidden, out)
    sgW = jax.random.normal(ks[2], (D_MODEL, HIDDEN), dtype=jnp.float32) * 0.02
    svW = jax.random.normal(ks[3], (D_MODEL, HIDDEN), dtype=jnp.float32) * 0.02
    soW = jax.random.normal(ks[4], (HIDDEN, OUT_DIM), dtype=jnp.float32) * 0.02
    sob = jnp.zeros((OUT_DIM,), dtype=jnp.float32)
    # routed experts, stacked over expert dim
    egW = jax.random.normal(ks[5], (NUM_EXPERTS, D_MODEL, HIDDEN), dtype=jnp.float32) * 0.02
    evW = jax.random.normal(ks[6], (NUM_EXPERTS, D_MODEL, HIDDEN), dtype=jnp.float32) * 0.02
    eoW = jax.random.normal(ks[7], (NUM_EXPERTS, HIDDEN, OUT_DIM), dtype=jnp.float32) * 0.02
    eob = jnp.zeros((NUM_EXPERTS, OUT_DIM), dtype=jnp.float32)
    return {"x": x, "Wr": Wr, "br": br, "sgW": sgW, "svW": svW, "soW": soW,
            "sob": sob, "egW": egW, "evW": evW, "eoW": eoW, "eob": eob}


def _swiglu_ffn(x, gW, vW, oW, ob):
    gate = jax.nn.silu(x @ gW)
    value = x @ vW
    return (gate * value) @ oW + ob


def reference(x, Wr, br, sgW, svW, soW, sob, egW, evW, eoW, eob):
    # router (linear)
    gate_logits = x @ Wr + br                              # [B, S, E]
    gate_weights = jax.nn.softmax(gate_logits, axis=-1)
    topk_weights, topk_indices = jax.lax.top_k(gate_weights, TOP_K)  # [B, S, k]
    # scatter topk weights back into a sparse [B, S, E] tensor (indices are unique)
    one_hot = jax.nn.one_hot(topk_indices, NUM_EXPERTS, dtype=gate_weights.dtype)  # [B,S,k,E]
    sparse_w = jnp.sum(one_hot * topk_weights[..., None], axis=-2)   # [B, S, E]
    sparse_w = sparse_w / jnp.sum(sparse_w, axis=-1, keepdims=True)
    # dense evaluation of all routed experts (faithful to torch impl)
    expert_outputs = jnp.stack(
        [_swiglu_ffn(x, egW[e], evW[e], eoW[e], eob[e]) for e in range(NUM_EXPERTS)],
        axis=2)                                            # [B, S, E, out]
    shared_out = _swiglu_ffn(x, sgW, svW, soW, sob)[:, :, None, :]   # [B, S, 1, out]
    all_out = jnp.concatenate([expert_outputs, shared_out], axis=2)  # [B, S, E+1, out]
    w = jnp.concatenate(
        [sparse_w, jnp.ones(sparse_w.shape[:-1] + (1,), dtype=sparse_w.dtype)],
        axis=-1)[..., None]                                # [B, S, E+1, 1]
    output = jnp.sum(w * all_out, axis=2)                  # [B, S, out]
    # dropout is identity in eval mode
    return (output, gate_logits, topk_indices)

if __name__ == "__main__":
    import jax
    _d = setup_inputs()
    print(jax.jit(kernel)(*tuple(_d.values())))

</pallas_src>

<mosaic_0001>
#map = affine_map<(d0, d1) -> (0, 0)>
#map1 = affine_map<(d0, d1) -> (0, 0, 0)>
module attributes {stable_mosaic.version = 14 : i64} {
  func.func @_dispatch_body(%arg0: i32, %arg1: i32, %arg2: memref<2048x1024xf32, #tpu.memory_space<hbm>>, %arg3: memref<32x2x64xi32, #tpu.memory_space<hbm>>, %arg4: memref<5120x1024xf32, #tpu.memory_space<hbm>>, %arg5: memref<2x64xi32, #tpu.memory_space<vmem>>, %arg6: memref<64x1024xf32, #tpu.memory_space<vmem>>, %arg7: memref<!tpu.dma_semaphore, #tpu.memory_space<semaphore_mem>>, %arg8: memref<!tpu.dma_semaphore, #tpu.memory_space<semaphore_mem>>) attributes {dimension_semantics = [#tpu.dimension_semantics<core_parallel>, #tpu.dimension_semantics<subcore_parallel>], iteration_bounds = array<i64: 2, 16>, scalar_prefetch = 0 : i64, scratch_operands = 4 : i64, tpu.core_type = #tpu.core_type<sc_vector_subcore>, window_params = [{transform_indices = #map}, {transform_indices = #map1}, {transform_indices = #map}]} {
    %mul3A = arith.constant 2 : i32
    %mul3A_0 = arith.muli %arg1, %mul3A : i32
    %add3A = arith.addi %mul3A_0, %arg0 : i32
    %mul3A_1 = arith.constant 64 : i32
    %mul3A_2 = arith.muli %add3A, %mul3A_1 : i32
    "tpu.region"() ({
      %run_scoped3A = tpu.sem_alloc : memref<!tpu.dma_semaphore, #tpu.memory_space<semaphore_mem>>
      %dma_start3A_29 = arith.constant 0 : i32
      %dma_start3A_30 = arith.constant 0 : i32
      %dma_start3A_31 = tpu.memref_slice %arg3[%add3A, %dma_start3A_29, %dma_start3A_30] : memref<32x2x64xi32, #tpu.memory_space<hbm>> -> memref<1x2x64xi32, #tpu.memory_space<hbm>>
      %dma_start3A_32 = tpu.memref_squeeze %dma_start3A_31 : memref<1x2x64xi32, #tpu.memory_space<hbm>> -> memref<2x64xi32, #tpu.memory_space<hbm>>
      %dma_start3A_33 = arith.constant 0 : i32
      %dma_start3A_34 = arith.constant 0 : i32
      %dma_start3A_35 = tpu.memref_slice %arg3[%add3A, %dma_start3A_33, %dma_start3A_34] : memref<32x2x64xi32, #tpu.memory_space<hbm>> -> memref<1x2x64xi32, #tpu.memory_space<hbm>>
      %dma_start3A_36 = tpu.memref_squeeze %dma_start3A_35 : memref<1x2x64xi32, #tpu.memory_space<hbm>> -> memref<2x64xi32, #tpu.memory_space<hbm>>
      tpu.enqueue_dma source(%dma_start3A_36 : memref<2x64xi32, #tpu.memory_space<hbm>>) target(%arg5 : memref<2x64xi32, #tpu.memory_space<vmem>>) target_semaphore(%run_scoped3A : memref<!tpu.dma_semaphore, #tpu.memory_space<semaphore_mem>>)
      %dma_wait3A_37 = arith.constant 0 : i32
      %dma_wait3A_38 = arith.constant 0 : i32
      %dma_wait3A_39 = tpu.memref_slice %arg3[%add3A, %dma_wait3A_37, %dma_wait3A_38] : memref<32x2x64xi32, #tpu.memory_space<hbm>> -> memref<1x2x64xi32, #tpu.memory_space<hbm>>
      %dma_wait3A_40 = tpu.memref_squeeze %dma_wait3A_39 : memref<1x2x64xi32, #tpu.memory_space<hbm>> -> memref<2x64xi32, #tpu.memory_space<hbm>>
      %dma_wait3A_41 = arith.constant 0 : i32
      %dma_wait3A_42 = arith.constant 0 : i32
      %dma_wait3A_43 = tpu.memref_slice %arg3[%add3A, %dma_wait3A_41, %dma_wait3A_42] : memref<32x2x64xi32, #tpu.memory_space<hbm>> -> memref<1x2x64xi32, #tpu.memory_space<hbm>>
      %dma_wait3A_44 = tpu.memref_squeeze %dma_wait3A_43 : memref<1x2x64xi32, #tpu.memory_space<hbm>> -> memref<2x64xi32, #tpu.memory_space<hbm>>
      tpu.wait_dma2 semaphore(%run_scoped3A : memref<!tpu.dma_semaphore, #tpu.memory_space<semaphore_mem>>) src(%dma_wait3A_44 : memref<2x64xi32, #tpu.memory_space<hbm>>) dst(%arg5 : memref<2x64xi32, #tpu.memory_space<vmem>>)
      tpu.yield
    }) : () -> ()
    "tpu.region"() ({
      %run_scoped3A = tpu.sem_alloc : memref<!tpu.dma_semaphore, #tpu.memory_space<semaphore_mem>>
      %dma_start3A_29 = arith.constant 0 : i32
      %dma_start3A_30 = tpu.memref_slice %arg2[%mul3A_2, %dma_start3A_29] : memref<2048x1024xf32, #tpu.memory_space<hbm>> -> memref<64x1024xf32, #tpu.memory_space<hbm>>
      %dma_start3A_31 = arith.constant 0 : i32
      %dma_start3A_32 = tpu.memref_slice %arg2[%mul3A_2, %dma_start3A_31] : memref<2048x1024xf32, #tpu.memory_space<hbm>> -> memref<64x1024xf32, #tpu.memory_space<hbm>>
      tpu.enqueue_dma source(%dma_start3A_32 : memref<64x1024xf32, #tpu.memory_space<hbm>>) target(%arg6 : memref<64x1024xf32, #tpu.memory_space<vmem>>) target_semaphore(%run_scoped3A : memref<!tpu.dma_semaphore, #tpu.memory_space<semaphore_mem>>)
      %dma_wait3A_33 = arith.constant 0 : i32
      %dma_wait3A_34 = tpu.memref_slice %arg2[%mul3A_2, %dma_wait3A_33] : memref<2048x1024xf32, #tpu.memory_space<hbm>> -> memref<64x1024xf32, #tpu.memory_space<hbm>>
      %dma_wait3A_35 = arith.constant 0 : i32
      %dma_wait3A_36 = tpu.memref_slice %arg2[%mul3A_2, %dma_wait3A_35] : memref<2048x1024xf32, #tpu.memory_space<hbm>> -> memref<64x1024xf32, #tpu.memory_space<hbm>>
      tpu.wait_dma2 semaphore(%run_scoped3A : memref<!tpu.dma_semaphore, #tpu.memory_space<semaphore_mem>>) src(%dma_wait3A_36 : memref<64x1024xf32, #tpu.memory_space<hbm>>) dst(%arg6 : memref<64x1024xf32, #tpu.memory_space<vmem>>)
      tpu.yield
    }) : () -> ()
    %dma_start3A = arith.constant 0 : i32
    %dma_start3A_3 = arith.constant 0 : i32
    %dma_start3A_4 = tpu.memref_slice %arg5[%dma_start3A, %dma_start3A_3] : memref<2x64xi32, #tpu.memory_space<vmem>> -> memref<1x64xi32, #tpu.memory_space<vmem>>
    %dma_start3A_5 = tpu.memref_squeeze %dma_start3A_4 : memref<1x64xi32, #tpu.memory_space<vmem>> -> memref<64xi32, #tpu.memory_space<vmem>>
    %dma_start3A_6 = arith.constant 0 : i32
    %dma_start3A_7 = arith.constant 0 : i32
    %dma_start3A_8 = tpu.memref_slice %arg4[%dma_start3A_6, %dma_start3A_7] : memref<5120x1024xf32, #tpu.memory_space<hbm>> -> memref<5120x1024xf32, #tpu.memory_space<hbm>>
    tpu.enqueue_indirect_dma source(%arg6 : memref<64x1024xf32, #tpu.memory_space<vmem>>) target(%dma_start3A_8 : memref<5120x1024xf32, #tpu.memory_space<hbm>>) offsets(%dma_start3A_5 : memref<64xi32, #tpu.memory_space<vmem>>) semaphore(%arg7 : memref<!tpu.dma_semaphore, #tpu.memory_space<semaphore_mem>>)
    %dma_start3A_9 = arith.constant 1 : i32
    %dma_start3A_10 = arith.constant 0 : i32
    %dma_start3A_11 = tpu.memref_slice %arg5[%dma_start3A_9, %dma_start3A_10] : memref<2x64xi32, #tpu.memory_space<vmem>> -> memref<1x64xi32, #tpu.memory_space<vmem>>
    %dma_start3A_12 = tpu.memref_squeeze %dma_start3A_11 : memref<1x64xi32, #tpu.memory_space<vmem>> -> memref<64xi32, #tpu.memory_space<vmem>>
    %dma_start3A_13 = arith.constant 0 : i32
    %dma_start3A_14 = arith.constant 0 : i32
    %dma_start3A_15 = tpu.memref_slice %arg4[%dma_start3A_13, %dma_start3A_14] : memref<5120x1024xf32, #tpu.memory_space<hbm>> -> memref<5120x1024xf32, #tpu.memory_space<hbm>>
    tpu.enqueue_indirect_dma source(%arg6 : memref<64x1024xf32, #tpu.memory_space<vmem>>) target(%dma_start3A_15 : memref<5120x1024xf32, #tpu.memory_space<hbm>>) offsets(%dma_start3A_12 : memref<64xi32, #tpu.memory_space<vmem>>) semaphore(%arg8 : memref<!tpu.dma_semaphore, #tpu.memory_space<semaphore_mem>>)
    %dma_wait3A = arith.constant 0 : i32
    %dma_wait3A_16 = arith.constant 0 : i32
    %dma_wait3A_17 = tpu.memref_slice %arg5[%dma_wait3A, %dma_wait3A_16] : memref<2x64xi32, #tpu.memory_space<vmem>> -> memref<1x64xi32, #tpu.memory_space<vmem>>
    %dma_wait3A_18 = tpu.memref_squeeze %dma_wait3A_17 : memref<1x64xi32, #tpu.memory_space<vmem>> -> memref<64xi32, #tpu.memory_space<vmem>>
    %dma_wait3A_19 = arith.constant 0 : i32
    %dma_wait3A_20 = arith.constant 0 : i32
    %dma_wait3A_21 = tpu.memref_slice %arg4[%dma_wait3A_19, %dma_wait3A_20] : memref<5120x1024xf32, #tpu.memory_space<hbm>> -> memref<5120x1024xf32, #tpu.memory_space<hbm>>
    tpu.wait_indirect_dma semaphore(%arg7 : memref<!tpu.dma_semaphore, #tpu.memory_space<semaphore_mem>>) src(%arg6 : memref<64x1024xf32, #tpu.memory_space<vmem>>) dst(%dma_wait3A_21 : memref<5120x1024xf32, #tpu.memory_space<hbm>>)
    %dma_wait3A_22 = arith.constant 1 : i32
    %dma_wait3A_23 = arith.constant 0 : i32
    %dma_wait3A_24 = tpu.memref_slice %arg5[%dma_wait3A_22, %dma_wait3A_23] : memref<2x64xi32, #tpu.memory_space<vmem>> -> memref<1x64xi32, #tpu.memory_space<vmem>>
    %dma_wait3A_25 = tpu.memref_squeeze %dma_wait3A_24 : memref<1x64xi32, #tpu.memory_space<vmem>> -> memref<64xi32, #tpu.memory_space<vmem>>
    %dma_wait3A_26 = arith.constant 0 : i32
    %dma_wait3A_27 = arith.constant 0 : i32
    %dma_wait3A_28 = tpu.memref_slice %arg4[%dma_wait3A_26, %dma_wait3A_27] : memref<5120x1024xf32, #tpu.memory_space<hbm>> -> memref<5120x1024xf32, #tpu.memory_space<hbm>>
    tpu.wait_indirect_dma semaphore(%arg8 : memref<!tpu.dma_semaphore, #tpu.memory_space<semaphore_mem>>) src(%arg6 : memref<64x1024xf32, #tpu.memory_space<vmem>>) dst(%dma_wait3A_28 : memref<5120x1024xf32, #tpu.memory_space<hbm>>)
    return
  }
}

#map = affine_map<(d0, d1) -> (0, 0)>
#map1 = affine_map<(d0, d1) -> (0, 0, 0)>
module attributes {stable_mosaic.version = 14 : i64} {
  func.func @_gather2_body(%arg0: i32, %arg1: i32, %arg2: memref<5120x1024xf32, #tpu.memory_space<hbm>>, %arg3: memref<32x2x64xi32, #tpu.memory_space<hbm>>, %arg4: memref<2048x1024xf32, #tpu.memory_space<hbm>>, %arg5: memref<2048x1024xf32, #tpu.memory_space<hbm>>, %arg6: memref<2x64xi32, #tpu.memory_space<vmem>>, %arg7: memref<32x1024xf32, #tpu.memory_space<vmem>>, %arg8: memref<!tpu.dma_semaphore, #tpu.memory_space<semaphore_mem>>) attributes {dimension_semantics = [#tpu.dimension_semantics<core_parallel>, #tpu.dimension_semantics<subcore_parallel>], iteration_bounds = array<i64: 2, 16>, scalar_prefetch = 0 : i64, scratch_operands = 3 : i64, tpu.core_type = #tpu.core_type<sc_vector_subcore>, window_params = [{transform_indices = #map}, {transform_indices = #map1}, {transform_indices = #map}, {transform_indices = #map}]} {
    %mul3A = arith.constant 2 : i32
    %mul3A_0 = arith.muli %arg1, %mul3A : i32
    %add3A = arith.addi %mul3A_0, %arg0 : i32
    %mul3A_1 = arith.constant 64 : i32
    %mul3A_2 = arith.muli %add3A, %mul3A_1 : i32
    "tpu.region"() ({
      %run_scoped3A = tpu.sem_alloc : memref<!tpu.dma_semaphore, #tpu.memory_space<semaphore_mem>>
      %dma_start3A_65 = arith.constant 0 : i32
      %dma_start3A_66 = arith.constant 0 : i32
      %dma_start3A_67 = tpu.memref_slice %arg3[%add3A, %dma_start3A_65, %dma_start3A_66] : memref<32x2x64xi32, #tpu.memory_space<hbm>> -> memref<1x2x64xi32, #tpu.memory_space<hbm>>
      %dma_start3A_68 = tpu.memref_squeeze %dma_start3A_67 : memref<1x2x64xi32, #tpu.memory_space<hbm>> -> memref<2x64xi32, #tpu.memory_space<hbm>>
      %dma_start3A_69 = arith.constant 0 : i32
      %dma_start3A_70 = arith.constant 0 : i32
      %dma_start3A_71 = tpu.memref_slice %arg3[%add3A, %dma_start3A_69, %dma_start3A_70] : memref<32x2x64xi32, #tpu.memory_space<hbm>> -> memref<1x2x64xi32, #tpu.memory_space<hbm>>
      %dma_start3A_72 = tpu.memref_squeeze %dma_start3A_71 : memref<1x2x64xi32, #tpu.memory_space<hbm>> -> memref<2x64xi32, #tpu.memory_space<hbm>>
      tpu.enqueue_dma source(%dma_start3A_72 : memref<2x64xi32, #tpu.memory_space<hbm>>) target(%arg6 : memref<2x64xi32, #tpu.memory_space<vmem>>) target_semaphore(%run_scoped3A : memref<!tpu.dma_semaphore, #tpu.memory_space<semaphore_mem>>)
      %dma_wait3A_73 = arith.constant 0 : i32
      %dma_wait3A_74 = arith.constant 0 : i32
      %dma_wait3A_75 = tpu.memref_slice %arg3[%add3A, %dma_wait3A_73, %dma_wait3A_74] : memref<32x2x64xi32, #tpu.memory_space<hbm>> -> memref<1x2x64xi32, #tpu.memory_space<hbm>>
      %dma_wait3A_76 = tpu.memref_squeeze %dma_wait3A_75 : memref<1x2x64xi32, #tpu.memory_space<hbm>> -> memref<2x64xi32, #tpu.memory_space<hbm>>
      %dma_wait3A_77 = arith.constant 0 : i32
      %dma_wait3A_78 = arith.constant 0 : i32
      %dma_wait3A_79 = tpu.memref_slice %arg3[%add3A, %dma_wait3A_77, %dma_wait3A_78] : memref<32x2x64xi32, #tpu.memory_space<hbm>> -> memref<1x2x64xi32, #tpu.memory_space<hbm>>
      %dma_wait3A_80 = tpu.memref_squeeze %dma_wait3A_79 : memref<1x2x64xi32, #tpu.memory_space<hbm>> -> memref<2x64xi32, #tpu.memory_space<hbm>>
      tpu.wait_dma2 semaphore(%run_scoped3A : memref<!tpu.dma_semaphore, #tpu.memory_space<semaphore_mem>>) src(%dma_wait3A_80 : memref<2x64xi32, #tpu.memory_space<hbm>>) dst(%arg6 : memref<2x64xi32, #tpu.memory_space<vmem>>)
      tpu.yield
    }) : () -> ()
    %dma_start3A = arith.constant 0 : i32
    %dma_start3A_3 = arith.constant 0 : i32
    %dma_start3A_4 = tpu.memref_slice %arg6[%dma_start3A, %dma_start3A_3] : memref<2x64xi32, #tpu.memory_space<vmem>> -> memref<1x32xi32, #tpu.memory_space<vmem>>
    %dma_start3A_5 = tpu.memref_squeeze %dma_start3A_4 : memref<1x32xi32, #tpu.memory_space<vmem>> -> memref<32xi32, #tpu.memory_space<vmem>>
    %dma_start3A_6 = arith.constant 0 : i32
    %dma_start3A_7 = arith.constant 0 : i32
    %dma_start3A_8 = tpu.memref_slice %arg2[%dma_start3A_6, %dma_start3A_7] : memref<5120x1024xf32, #tpu.memory_space<hbm>> -> memref<5120x1024xf32, #tpu.memory_space<hbm>>
    tpu.enqueue_indirect_dma source(%dma_start3A_8 : memref<5120x1024xf32, #tpu.memory_space<hbm>>) target(%arg7 : memref<32x1024xf32, #tpu.memory_space<vmem>>) offsets(%dma_start3A_5 : memref<32xi32, #tpu.memory_space<vmem>>) semaphore(%arg8 : memref<!tpu.dma_semaphore, #tpu.memory_space<semaphore_mem>>)
    %dma_wait3A = arith.constant 0 : i32
    %dma_wait3A_9 = arith.constant 0 : i32
    %dma_wait3A_10 = tpu.memref_slice %arg6[%dma_wait3A, %dma_wait3A_9] : memref<2x64xi32, #tpu.memory_space<vmem>> -> memref<1x32xi32, #tpu.memory_space<vmem>>
    %dma_wait3A_11 = tpu.memref_squeeze %dma_wait3A_10 : memref<1x32xi32, #tpu.memory_space<vmem>> -> memref<32xi32, #tpu.memory_space<vmem>>
    %dma_wait3A_12 = arith.constant 0 : i32
    %dma_wait3A_13 = arith.constant 0 : i32
    %dma_wait3A_14 = tpu.memref_slice %arg2[%dma_wait3A_12, %dma_wait3A_13] : memref<5120x1024xf32, #tpu.memory_space<hbm>> -> memref<5120x1024xf32, #tpu.memory_space<hbm>>
    tpu.wait_indirect_dma semaphore(%arg8 : memref<!tpu.dma_semaphore, #tpu.memory_space<semaphore_mem>>) src(%dma_wait3A_14 : memref<5120x1024xf32, #tpu.memory_space<hbm>>) dst(%arg7 : memref<32x1024xf32, #tpu.memory_space<vmem>>)
    %add3A_15 = arith.constant 0 : i32
    %add3A_16 = arith.addi %mul3A_2, %add3A_15 : i32
    "tpu.region"() ({
      %run_scoped3A = tpu.sem_alloc : memref<!tpu.dma_semaphore, #tpu.memory_space<semaphore_mem>>
      %dma_start3A_65 = arith.constant 0 : i32
      %dma_start3A_66 = tpu.memref_slice %arg4[%add3A_16, %dma_start3A_65] : memref<2048x1024xf32, #tpu.memory_space<hbm>> -> memref<32x1024xf32, #tpu.memory_space<hbm>>
      %dma_start3A_67 = arith.constant 0 : i32
      %dma_start3A_68 = tpu.memref_slice %arg4[%add3A_16, %dma_start3A_67] : memref<2048x1024xf32, #tpu.memory_space<hbm>> -> memref<32x1024xf32, #tpu.memory_space<hbm>>
      tpu.enqueue_dma source(%arg7 : memref<32x1024xf32, #tpu.memory_space<vmem>>) target(%dma_start3A_68 : memref<32x1024xf32, #tpu.memory_space<hbm>>) target_semaphore(%run_scoped3A : memref<!tpu.dma_semaphore, #tpu.memory_space<semaphore_mem>>)
      %dma_wait3A_69 = arith.constant 0 : i32
      %dma_wait3A_70 = tpu.memref_slice %arg4[%add3A_16, %dma_wait3A_69] : memref<2048x1024xf32, #tpu.memory_space<hbm>> -> memref<32x1024xf32, #tpu.memory_space<hbm>>
      %dma_wait3A_71 = arith.constant 0 : i32
      %dma_wait3A_72 = tpu.memref_slice %arg4[%add3A_16, %dma_wait3A_71] : memref<2048x1024xf32, #tpu.memory_space<hbm>> -> memref<32x1024xf32, #tpu.memory_space<hbm>>
      tpu.wait_dma2 semaphore(%run_scoped3A : memref<!tpu.dma_semaphore, #tpu.memory_space<semaphore_mem>>) src(%arg7 : memref<32x1024xf32, #tpu.memory_space<vmem>>) dst(%dma_wait3A_72 : memref<32x1024xf32, #tpu.memory_space<hbm>>)
      tpu.yield
    }) : () -> ()
    %dma_start3A_17 = arith.constant 0 : i32
    %dma_start3A_18 = arith.constant 32 : i32
    %dma_start3A_19 = tpu.memref_slice %arg6[%dma_start3A_17, %dma_start3A_18] : memref<2x64xi32, #tpu.memory_space<vmem>> -> memref<1x32xi32, #tpu.memory_space<vmem>>
    %dma_start3A_20 = tpu.memref_squeeze %dma_start3A_19 : memref<1x32xi32, #tpu.memory_space<vmem>> -> memref<32xi32, #tpu.memory_space<vmem>>
    %dma_start3A_21 = arith.constant 0 : i32
    %dma_start3A_22 = arith.constant 0 : i32
    %dma_start3A_23 = tpu.memref_slice %arg2[%dma_start3A_21, %dma_start3A_22] : memref<5120x1024xf32, #tpu.memory_space<hbm>> -> memref<5120x1024xf32, #tpu.memory_space<hbm>>
    tpu.enqueue_indirect_dma source(%dma_start3A_23 : memref<5120x1024xf32, #tpu.memory_space<hbm>>) target(%arg7 : memref<32x1024xf32, #tpu.memory_space<vmem>>) offsets(%dma_start3A_20 : memref<32xi32, #tpu.memory_space<vmem>>) semaphore(%arg8 : memref<!tpu.dma_semaphore, #tpu.memory_space<semaphore_mem>>)
    %dma_wait3A_24 = arith.constant 0 : i32
    %dma_wait3A_25 = arith.constant 32 : i32
    %dma_wait3A_26 = tpu.memref_slice %arg6[%dma_wait3A_24, %dma_wait3A_25] : memref<2x64xi32, #tpu.memory_space<vmem>> -> memref<1x32xi32, #tpu.memory_space<vmem>>
    %dma_wait3A_27 = tpu.memref_squeeze %dma_wait3A_26 : memref<1x32xi32, #tpu.memory_space<vmem>> -> memref<32xi32, #tpu.memory_space<vmem>>
    %dma_wait3A_28 = arith.constant 0 : i32
    %dma_wait3A_29 = arith.constant 0 : i32
    %dma_wait3A_30 = tpu.memref_slice %arg2[%dma_wait3A_28, %dma_wait3A_29] : memref<5120x1024xf32, #tpu.memory_space<hbm>> -> memref<5120x1024xf32, #tpu.memory_space<hbm>>
    tpu.wait_indirect_dma semaphore(%arg8 : memref<!tpu.dma_semaphore, #tpu.memory_space<semaphore_mem>>) src(%dma_wait3A_30 : memref<5120x1024xf32, #tpu.memory_space<hbm>>) dst(%arg7 : memref<32x1024xf32, #tpu.memory_space<vmem>>)
    %add3A_31 = arith.constant 32 : i32
    %add3A_32 = arith.addi %mul3A_2, %add3A_31 : i32
    "tpu.region"() ({
      %run_scoped3A = tpu.sem_alloc : memref<!tpu.dma_semaphore, #tpu.memory_space<semaphore_mem>>
      %dma_start3A_65 = arith.constant 0 : i32
      %dma_start3A_66 = tpu.memref_slice %arg4[%add3A_32, %dma_start3A_65] : memref<2048x1024xf32, #tpu.memory_space<hbm>> -> memref<32x1024xf32, #tpu.memory_space<hbm>>
      %dma_start3A_67 = arith.constant 0 : i32
      %dma_start3A_68 = tpu.memref_slice %arg4[%add3A_32, %dma_start3A_67] : memref<2048x1024xf32, #tpu.memory_space<hbm>> -> memref<32x1024xf32, #tpu.memory_space<hbm>>
      tpu.enqueue_dma source(%arg7 : memref<32x1024xf32, #tpu.memory_space<vmem>>) target(%dma_start3A_68 : memref<32x1024xf32, #tpu.memory_space<hbm>>) target_semaphore(%run_scoped3A : memref<!tpu.dma_semaphore, #tpu.memory_space<semaphore_mem>>)
      %dma_wait3A_69 = arith.constant 0 : i32
      %dma_wait3A_70 = tpu.memref_slice %arg4[%add3A_32, %dma_wait3A_69] : memref<2048x1024xf32, #tpu.memory_space<hbm>> -> memref<32x1024xf32, #tpu.memory_space<hbm>>
      %dma_wait3A_71 = arith.constant 0 : i32
      %dma_wait3A_72 = tpu.memref_slice %arg4[%add3A_32, %dma_wait3A_71] : memref<2048x1024xf32, #tpu.memory_space<hbm>> -> memref<32x1024xf32, #tpu.memory_space<hbm>>
      tpu.wait_dma2 semaphore(%run_scoped3A : memref<!tpu.dma_semaphore, #tpu.memory_space<semaphore_mem>>) src(%arg7 : memref<32x1024xf32, #tpu.memory_space<vmem>>) dst(%dma_wait3A_72 : memref<32x1024xf32, #tpu.memory_space<hbm>>)
      tpu.yield
    }) : () -> ()
    %dma_start3A_33 = arith.constant 1 : i32
    %dma_start3A_34 = arith.constant 0 : i32
    %dma_start3A_35 = tpu.memref_slice %arg6[%dma_start3A_33, %dma_start3A_34] : memref<2x64xi32, #tpu.memory_space<vmem>> -> memref<1x32xi32, #tpu.memory_space<vmem>>
    %dma_start3A_36 = tpu.memref_squeeze %dma_start3A_35 : memref<1x32xi32, #tpu.memory_space<vmem>> -> memref<32xi32, #tpu.memory_space<vmem>>
    %dma_start3A_37 = arith.constant 0 : i32
    %dma_start3A_38 = arith.constant 0 : i32
    %dma_start3A_39 = tpu.memref_slice %arg2[%dma_start3A_37, %dma_start3A_38] : memref<5120x1024xf32, #tpu.memory_space<hbm>> -> memref<5120x1024xf32, #tpu.memory_space<hbm>>
    tpu.enqueue_indirect_dma source(%dma_start3A_39 : memref<5120x1024xf32, #tpu.memory_space<hbm>>) target(%arg7 : memref<32x1024xf32, #tpu.memory_space<vmem>>) offsets(%dma_start3A_36 : memref<32xi32, #tpu.memory_space<vmem>>) semaphore(%arg8 : memref<!tpu.dma_semaphore, #tpu.memory_space<semaphore_mem>>)
    %dma_wait3A_40 = arith.constant 1 : i32
    %dma_wait3A_41 = arith.constant 0 : i32
    %dma_wait3A_42 = tpu.memref_slice %arg6[%dma_wait3A_40, %dma_wait3A_41] : memref<2x64xi32, #tpu.memory_space<vmem>> -> memref<1x32xi32, #tpu.memory_space<vmem>>
    %dma_wait3A_43 = tpu.memref_squeeze %dma_wait3A_42 : memref<1x32xi32, #tpu.memory_space<vmem>> -> memref<32xi32, #tpu.memory_space<vmem>>
    %dma_wait3A_44 = arith.constant 0 : i32
    %dma_wait3A_45 = arith.constant 0 : i32
    %dma_wait3A_46 = tpu.memref_slice %arg2[%dma_wait3A_44, %dma_wait3A_45] : memref<5120x1024xf32, #tpu.memory_space<hbm>> -> memref<5120x1024xf32, #tpu.memory_space<hbm>>
    tpu.wait_indirect_dma semaphore(%arg8 : memref<!tpu.dma_semaphore, #tpu.memory_space<semaphore_mem>>) src(%dma_wait3A_46 : memref<5120x1024xf32, #tpu.memory_space<hbm>>) dst(%arg7 : memref<32x1024xf32, #tpu.memory_space<vmem>>)
    %add3A_47 = arith.constant 0 : i32
    %add3A_48 = arith.addi %mul3A_2, %add3A_47 : i32
    "tpu.region"() ({
      %run_scoped3A = tpu.sem_alloc : memref<!tpu.dma_semaphore, #tpu.memory_space<semaphore_mem>>
      %dma_start3A_65 = arith.constant 0 : i32
      %dma_start3A_66 = tpu.memref_slice %arg5[%add3A_48, %dma_start3A_65] : memref<2048x1024xf32, #tpu.memory_space<hbm>> -> memref<32x1024xf32, #tpu.memory_space<hbm>>
      %dma_start3A_67 = arith.constant 0 : i32
      %dma_start3A_68 = tpu.memref_slice %arg5[%add3A_48, %dma_start3A_67] : memref<2048x1024xf32, #tpu.memory_space<hbm>> -> memref<32x1024xf32, #tpu.memory_space<hbm>>
      tpu.enqueue_dma source(%arg7 : memref<32x1024xf32, #tpu.memory_space<vmem>>) target(%dma_start3A_68 : memref<32x1024xf32, #tpu.memory_space<hbm>>) target_semaphore(%run_scoped3A : memref<!tpu.dma_semaphore, #tpu.memory_space<semaphore_mem>>)
      %dma_wait3A_69 = arith.constant 0 : i32
      %dma_wait3A_70 = tpu.memref_slice %arg5[%add3A_48, %dma_wait3A_69] : memref<2048x1024xf32, #tpu.memory_space<hbm>> -> memref<32x1024xf32, #tpu.memory_space<hbm>>
      %dma_wait3A_71 = arith.constant 0 : i32
      %dma_wait3A_72 = tpu.memref_slice %arg5[%add3A_48, %dma_wait3A_71] : memref<2048x1024xf32, #tpu.memory_space<hbm>> -> memref<32x1024xf32, #tpu.memory_space<hbm>>
      tpu.wait_dma2 semaphore(%run_scoped3A : memref<!tpu.dma_semaphore, #tpu.memory_space<semaphore_mem>>) src(%arg7 : memref<32x1024xf32, #tpu.memory_space<vmem>>) dst(%dma_wait3A_72 : memref<32x1024xf32, #tpu.memory_space<hbm>>)
      tpu.yield
    }) : () -> ()
    %dma_start3A_49 = arith.constant 1 : i32
    %dma_start3A_50 = arith.constant 32 : i32
    %dma_start3A_51 = tpu.memref_slice %arg6[%dma_start3A_49, %dma_start3A_50] : memref<2x64xi32, #tpu.memory_space<vmem>> -> memref<1x32xi32, #tpu.memory_space<vmem>>
    %dma_start3A_52 = tpu.memref_squeeze %dma_start3A_51 : memref<1x32xi32, #tpu.memory_space<vmem>> -> memref<32xi32, #tpu.memory_space<vmem>>
    %dma_start3A_53 = arith.constant 0 : i32
    %dma_start3A_54 = arith.constant 0 : i32
    %dma_start3A_55 = tpu.memref_slice %arg2[%dma_start3A_53, %dma_start3A_54] : memref<5120x1024xf32, #tpu.memory_space<hbm>> -> memref<5120x1024xf32, #tpu.memory_space<hbm>>
    tpu.enqueue_indirect_dma source(%dma_start3A_55 : memref<5120x1024xf32, #tpu.memory_space<hbm>>) target(%arg7 : memref<32x1024xf32, #tpu.memory_space<vmem>>) offsets(%dma_start3A_52 : memref<32xi32, #tpu.memory_space<vmem>>) semaphore(%arg8 : memref<!tpu.dma_semaphore, #tpu.memory_space<semaphore_mem>>)
    %dma_wait3A_56 = arith.constant 1 : i32
    %dma_wait3A_57 = arith.constant 32 : i32
    %dma_wait3A_58 = tpu.memref_slice %arg6[%dma_wait3A_56, %dma_wait3A_57] : memref<2x64xi32, #tpu.memory_space<vmem>> -> memref<1x32xi32, #tpu.memory_space<vmem>>
    %dma_wait3A_59 = tpu.memref_squeeze %dma_wait3A_58 : memref<1x32xi32, #tpu.memory_space<vmem>> -> memref<32xi32, #tpu.memory_space<vmem>>
    %dma_wait3A_60 = arith.constant 0 : i32
    %dma_wait3A_61 = arith.constant 0 : i32
    %dma_wait3A_62 = tpu.memref_slice %arg2[%dma_wait3A_60, %dma_wait3A_61] : memref<5120x1024xf32, #tpu.memory_space<hbm>> -> memref<5120x1024xf32, #tpu.memory_space<hbm>>
    tpu.wait_indirect_dma semaphore(%arg8 : memref<!tpu.dma_semaphore, #tpu.memory_space<semaphore_mem>>) src(%dma_wait3A_62 : memref<5120x1024xf32, #tpu.memory_space<hbm>>) dst(%arg7 : memref<32x1024xf32, #tpu.memory_space<vmem>>)
    %add3A_63 = arith.constant 32 : i32
    %add3A_64 = arith.addi %mul3A_2, %add3A_63 : i32
    "tpu.region"() ({
      %run_scoped3A = tpu.sem_alloc : memref<!tpu.dma_semaphore, #tpu.memory_space<semaphore_mem>>
      %dma_start3A_65 = arith.constant 0 : i32
      %dma_start3A_66 = tpu.memref_slice %arg5[%add3A_64, %dma_start3A_65] : memref<2048x1024xf32, #tpu.memory_space<hbm>> -> memref<32x1024xf32, #tpu.memory_space<hbm>>
      %dma_start3A_67 = arith.constant 0 : i32
      %dma_start3A_68 = tpu.memref_slice %arg5[%add3A_64, %dma_start3A_67] : memref<2048x1024xf32, #tpu.memory_space<hbm>> -> memref<32x1024xf32, #tpu.memory_space<hbm>>
      tpu.enqueue_dma source(%arg7 : memref<32x1024xf32, #tpu.memory_space<vmem>>) target(%dma_start3A_68 : memref<32x1024xf32, #tpu.memory_space<hbm>>) target_semaphore(%run_scoped3A : memref<!tpu.dma_semaphore, #tpu.memory_space<semaphore_mem>>)
      %dma_wait3A_69 = arith.constant 0 : i32
      %dma_wait3A_70 = tpu.memref_slice %arg5[%add3A_64, %dma_wait3A_69] : memref<2048x1024xf32, #tpu.memory_space<hbm>> -> memref<32x1024xf32, #tpu.memory_space<hbm>>
      %dma_wait3A_71 = arith.constant 0 : i32
      %dma_wait3A_72 = tpu.memref_slice %arg5[%add3A_64, %dma_wait3A_71] : memref<2048x1024xf32, #tpu.memory_space<hbm>> -> memref<32x1024xf32, #tpu.memory_space<hbm>>
      tpu.wait_dma2 semaphore(%run_scoped3A : memref<!tpu.dma_semaphore, #tpu.memory_space<semaphore_mem>>) src(%arg7 : memref<32x1024xf32, #tpu.memory_space<vmem>>) dst(%dma_wait3A_72 : memref<32x1024xf32, #tpu.memory_space<hbm>>)
      tpu.yield
    }) : () -> ()
    return
  }
}

module attributes {stable_mosaic.version = 14 : i64} {
  func.func @_router_body(%arg0: memref<2048x1024xf32, #tpu.memory_space<vmem>>, %arg1: memref<1024x8xf32, #tpu.memory_space<vmem>>, %arg2: memref<1x8xf32, #tpu.memory_space<vmem>>, %arg3: memref<2048x8xf32, #tpu.memory_space<vmem>>, %arg4: memref<2048x2xi32, #tpu.memory_space<vmem>>, %arg5: memref<2048x1xf32, #tpu.memory_space<vmem>>, %arg6: memref<2048x1xf32, #tpu.memory_space<vmem>>, %arg7: memref<2048x2xi32, #tpu.memory_space<vmem>>, %arg8: memref<40x1xi32, #tpu.memory_space<vmem>>) attributes {dimension_semantics = [], scalar_prefetch = 0 : i64, scratch_operands = 0 : i64, tpu.core_type = #tpu.core_type<tc>} {
    %get3A = arith.constant 0 : index
    %get3A_0 = arith.constant 0 : index
    %get3A_1 = vector.load %arg0[%get3A, %get3A_0] : memref<2048x1024xf32, #tpu.memory_space<vmem>>, vector<2048x1024xf32>
    %get3A_2 = arith.constant 0 : index
    %get3A_3 = arith.constant 0 : index
    %get3A_4 = vector.load %arg1[%get3A_2, %get3A_3] : memref<1024x8xf32, #tpu.memory_space<vmem>>, vector<1024x8xf32>
    %dot_general3A = arith.constant dense<0.000000e+00> : vector<2048x8xf32>
    %dot_general3A_5 = tpu.matmul %get3A_1, %get3A_4, %dot_general3A {dimension_numbers = #tpu.dot_dimension_numbers<[1], [0], [0], [1], [0, 0, 1, 1], [], []>, transpose_lhs_hint = false} : vector<2048x1024xf32>, vector<1024x8xf32>, vector<2048x8xf32> -> vector<2048x8xf32>
    %get3A_6 = arith.constant 0 : index
    %get3A_7 = arith.constant 0 : index
    %get3A_8 = vector.load %arg2[%get3A_6, %get3A_7] : memref<1x8xf32, #tpu.memory_space<vmem>>, vector<1x8xf32>
    %add3A = vector.broadcast %get3A_8 : vector<1x8xf32> to vector<2048x8xf32>
    %add3A_9 = arith.addf %dot_general3A_5, %add3A : vector<2048x8xf32>
    %swap3A = arith.constant 0 : index
    %swap3A_10 = arith.constant 0 : index
    %swap3A_11 = vector.load %arg3[%swap3A, %swap3A_10] : memref<2048x8xf32, #tpu.memory_space<vmem>>, vector<2048x8xf32>
    tpu.vector_store %arg3[%swap3A, %swap3A_10], %add3A_9 {strides = array<i32>} : memref<2048x8xf32, #tpu.memory_space<vmem>>, vector<2048x8xf32>,
    %reduce_max3A = arith.constant dense<0xFF800000> : vector<2048xf32>
    %reduce_max3A_12 = vector.multi_reduction <maximumf>, %add3A_9, %reduce_max3A [1] : vector<2048x8xf32> to vector<2048xf32>
    %broadcast_in_dim3A = vector.shape_cast %reduce_max3A_12 : vector<2048xf32> to vector<2048x1xf32>
    %sub3A = vector.broadcast %broadcast_in_dim3A : vector<2048x1xf32> to vector<2048x8xf32>
    %sub3A_13 = arith.subf %add3A_9, %sub3A : vector<2048x8xf32>
    %exp3A = math.exp %sub3A_13 : vector<2048x8xf32>
    %reduce_sum3A = arith.constant dense<0.000000e+00> : vector<2048xf32>
    %reduce_sum3A_14 = vector.multi_reduction <add>, %exp3A, %reduce_sum3A [1] : vector<2048x8xf32> to vector<2048xf32>
    %broadcast_in_dim3A_15 = vector.shape_cast %reduce_sum3A_14 : vector<2048xf32> to vector<2048x1xf32>
    %div3A = vector.broadcast %broadcast_in_dim3A_15 : vector<2048x1xf32> to vector<2048x8xf32>
    %div3A_16 = arith.divf %exp3A, %div3A : vector<2048x8xf32>
    %iota3A = tpu.iota {dimensions = array<i32: 1>} : vector<2048x8xi32>
    %reduce_max3A_17 = arith.constant dense<0xFF800000> : vector<2048xf32>
    %reduce_max3A_18 = vector.multi_reduction <maximumf>, %div3A_16, %reduce_max3A_17 [1] : vector<2048x8xf32> to vector<2048xf32>
    %broadcast_in_dim3A_19 = vector.shape_cast %reduce_max3A_18 : vector<2048xf32> to vector<2048x1xf32>
    %eq3A = vector.broadcast %broadcast_in_dim3A_19 : vector<2048x1xf32> to vector<2048x8xf32>
    %eq3A_20 = arith.cmpf oeq, %div3A_16, %eq3A : vector<2048x8xf32>
    %jit3A = arith.constant 8 : i32
    %broadcast_in_dim3A_21 = vector.broadcast %jit3A : i32 to vector<2048x8xi32>
    %select_n3A = arith.select %eq3A_20, %iota3A, %broadcast_in_dim3A_21 : vector<2048x8xi1>, vector<2048x8xi32>
    %reduce_min3A = arith.constant dense<2147483647> : vector<2048xi32>
    %reduce_min3A_22 = vector.multi_reduction <minsi>, %select_n3A, %reduce_min3A [1] : vector<2048x8xi32> to vector<2048xi32>
    %broadcast_in_dim3A_23 = vector.shape_cast %reduce_min3A_22 : vector<2048xi32> to vector<2048x1xi32>
    %eq3A_24 = vector.broadcast %broadcast_in_dim3A_23 : vector<2048x1xi32> to vector<2048x8xi32>
    %eq3A_25 = arith.cmpi eq, %iota3A, %eq3A_24 : vector<2048x8xi32>
    %jit3A_26 = arith.constant -1.000000e+00 : f32
    %broadcast_in_dim3A_27 = vector.broadcast %jit3A_26 : f32 to vector<2048x8xf32>
    %select_n3A_28 = arith.select %eq3A_25, %broadcast_in_dim3A_27, %div3A_16 : vector<2048x8xi1>, vector<2048x8xf32>
    %reduce_max3A_29 = arith.constant dense<0xFF800000> : vector<2048xf32>
    %reduce_max3A_30 = vector.multi_reduction <maximumf>, %select_n3A_28, %reduce_max3A_29 [1] : vector<2048x8xf32> to vector<2048xf32>
    %broadcast_in_dim3A_31 = vector.shape_cast %reduce_max3A_30 : vector<2048xf32> to vector<2048x1xf32>
    %eq3A_32 = vector.broadcast %broadcast_in_dim3A_31 : vector<2048x1xf32> to vector<2048x8xf32>
    %eq3A_33 = arith.cmpf oeq, %select_n3A_28, %eq3A_32 : vector<2048x8xf32>
    %jit3A_34 = arith.constant 8 : i32
    %broadcast_in_dim3A_35 = vector.broadcast %jit3A_34 : i32 to vector<2048x8xi32>
    %select_n3A_36 = arith.select %eq3A_33, %iota3A, %broadcast_in_dim3A_35 : vector<2048x8xi1>, vector<2048x8xi32>
    %reduce_min3A_37 = arith.constant dense<2147483647> : vector<2048xi32>
    %reduce_min3A_38 = vector.multi_reduction <minsi>, %select_n3A_36, %reduce_min3A_37 [1] : vector<2048x8xi32> to vector<2048xi32>
    %broadcast_in_dim3A_39 = vector.shape_cast %reduce_min3A_38 : vector<2048xi32> to vector<2048x1xi32>
    %add3A_40 = arith.addf %broadcast_in_dim3A_19, %broadcast_in_dim3A_31 : vector<2048x1xf32>
    %concatenate3A = tpu.concatenate %broadcast_in_dim3A_23, %broadcast_in_dim3A_39 in 1 : vector<2048x1xi32>, vector<2048x1xi32> -> vector<2048x2xi32>
    %swap3A_41 = arith.constant 0 : index
    %swap3A_42 = arith.constant 0 : index
    %swap3A_43 = vector.load %arg4[%swap3A_41, %swap3A_42] : memref<2048x2xi32, #tpu.memory_space<vmem>>, vector<2048x2xi32>
    tpu.vector_store %arg4[%swap3A_41, %swap3A_42], %concatenate3A {strides = array<i32>} : memref<2048x2xi32, #tpu.memory_space<vmem>>, vector<2048x2xi32>,
    %div3A_44 = arith.divf %broadcast_in_dim3A_19, %add3A_40 : vector<2048x1xf32>
    %swap3A_45 = arith.constant 0 : index
    %swap3A_46 = arith.constant 0 : index
    %swap3A_47 = vector.load %arg5[%swap3A_45, %swap3A_46] : memref<2048x1xf32, #tpu.memory_space<vmem>>, vector<2048x1xf32>
    tpu.vector_store %arg5[%swap3A_45, %swap3A_46], %div3A_44 {strides = array<i32>} : memref<2048x1xf32, #tpu.memory_space<vmem>>, vector<2048x1xf32>,
    %div3A_48 = arith.divf %broadcast_in_dim3A_31, %add3A_40 : vector<2048x1xf32>
    %swap3A_49 = arith.constant 0 : index
    %swap3A_50 = arith.constant 0 : index
    %swap3A_51 = vector.load %arg6[%swap3A_49, %swap3A_50] : memref<2048x1xf32, #tpu.memory_space<vmem>>, vector<2048x1xf32>
    tpu.vector_store %arg6[%swap3A_49, %swap3A_50], %div3A_48 {strides = array<i32>} : memref<2048x1xf32, #tpu.memory_space<vmem>>, vector<2048x1xf32>,
    %eq3A_52 = vector.broadcast %broadcast_in_dim3A_23 : vector<2048x1xi32> to vector<2048x8xi32>
    %eq3A_53 = arith.cmpi eq, %iota3A, %eq3A_52 : vector<2048x8xi32>
    %convert_element_type3A = arith.extui %eq3A_53 : vector<2048x8xi1> to vector<2048x8xi32>
    %convert_element_type3A_54 = arith.sitofp %convert_element_type3A : vector<2048x8xi32> to vector<2048x8xf32>
    %eq3A_55 = vector.broadcast %broadcast_in_dim3A_39 : vector<2048x1xi32> to vector<2048x8xi32>
    %eq3A_56 = arith.cmpi eq, %iota3A, %eq3A_55 : vector<2048x8xi32>
    %convert_element_type3A_57 = arith.extui %eq3A_56 : vector<2048x8xi1> to vector<2048x8xi32>
    %convert_element_type3A_58 = arith.sitofp %convert_element_type3A_57 : vector<2048x8xi32> to vector<2048x8xf32>
    %add3A_59 = arith.addf %convert_element_type3A_54, %convert_element_type3A_58 : vector<2048x8xf32>
    %iota3A_60 = tpu.iota {dimensions = array<i32: 0>} : vector<2048x2048xi32>
    %iota3A_61 = tpu.iota {dimensions = array<i32: 1>} : vector<2048x2048xi32>
    %lt3A = arith.cmpi slt, %iota3A_61, %iota3A_60 : vector<2048x2048xi32>
    %convert_element_type3A_62 = arith.extui %lt3A : vector<2048x2048xi1> to vector<2048x2048xi32>
    %convert_element_type3A_63 = arith.sitofp %convert_element_type3A_62 : vector<2048x2048xi32> to vector<2048x2048xf32>
    %dot_general3A_64 = arith.constant dense<0.000000e+00> : vector<2048x8xf32>
    %dot_general3A_65 = tpu.matmul %convert_element_type3A_63, %add3A_59, %dot_general3A_64 {dimension_numbers = #tpu.dot_dimension_numbers<[1], [0], [0], [1], [0, 0, 1, 1], [], []>, transpose_lhs_hint = false} : vector<2048x2048xf32>, vector<2048x8xf32>, vector<2048x8xf32> -> vector<2048x8xf32>
    %mul3A = arith.mulf %dot_general3A_65, %convert_element_type3A_54 : vector<2048x8xf32>
    %reduce_sum3A_66 = arith.constant dense<0.000000e+00> : vector<2048xf32>
    %reduce_sum3A_67 = vector.multi_reduction <add>, %mul3A, %reduce_sum3A_66 [1] : vector<2048x8xf32> to vector<2048xf32>
    %broadcast_in_dim3A_68 = vector.shape_cast %reduce_sum3A_67 : vector<2048xf32> to vector<2048x1xf32>
    %mul3A_69 = arith.mulf %dot_general3A_65, %convert_element_type3A_58 : vector<2048x8xf32>
    %reduce_sum3A_70 = arith.constant dense<0.000000e+00> : vector<2048xf32>
    %reduce_sum3A_71 = vector.multi_reduction <add>, %mul3A_69, %reduce_sum3A_70 [1] : vector<2048x8xf32> to vector<2048xf32>
    %broadcast_in_dim3A_72 = vector.shape_cast %reduce_sum3A_71 : vector<2048xf32> to vector<2048x1xf32>
    %reduce_sum3A_73 = arith.constant dense<0.000000e+00> : vector<8xf32>
    %reduce_sum3A_74 = vector.multi_reduction <add>, %add3A_59, %reduce_sum3A_73 [0] : vector<2048x8xf32> to vector<8xf32>
    %broadcast_in_dim3A_75 = vector.shape_cast %reduce_sum3A_74 : vector<8xf32> to vector<1x8xf32>
    %add3A_76 = arith.constant 1.270000e+02 : f32
    %add3A_77 = vector.broadcast %add3A_76 : f32 to vector<1x8xf32>
    %add3A_78 = arith.addf %broadcast_in_dim3A_75, %add3A_77 : vector<1x8xf32>
    %div3A_79 = arith.constant 1.280000e+02 : f32
    %div3A_80 = vector.broadcast %div3A_79 : f32 to vector<1x8xf32>
    %div3A_81 = arith.divf %add3A_78, %div3A_80 : vector<1x8xf32>
    %floor3A = math.floor %div3A_81 : vector<1x8xf32>
    %mul3A_82 = arith.constant 1.280000e+02 : f32
    %mul3A_83 = vector.broadcast %mul3A_82 : f32 to vector<1x8xf32>
    %mul3A_84 = arith.mulf %floor3A, %mul3A_83 : vector<1x8xf32>
    %broadcast_in_dim3A_85 = vector.shape_cast %mul3A_84 : vector<1x8xf32> to vector<1x8xf32>
    %broadcast_in_dim3A_86 = vector.broadcast %broadcast_in_dim3A_85 : vector<1x8xf32> to vector<2048x8xf32>
    %lt3A_87 = vector.broadcast %broadcast_in_dim3A_23 : vector<2048x1xi32> to vector<2048x8xi32>
    %lt3A_88 = arith.cmpi slt, %iota3A, %lt3A_87 : vector<2048x8xi32>
    %jit3A_89 = arith.constant 0.000000e+00 : f32
    %broadcast_in_dim3A_90 = vector.broadcast %jit3A_89 : f32 to vector<2048x8xf32>
    %select_n3A_91 = arith.select %lt3A_88, %broadcast_in_dim3A_86, %broadcast_in_dim3A_90 : vector<2048x8xi1>, vector<2048x8xf32>
    %reduce_sum3A_92 = arith.constant dense<0.000000e+00> : vector<2048xf32>
    %reduce_sum3A_93 = vector.multi_reduction <add>, %select_n3A_91, %reduce_sum3A_92 [1] : vector<2048x8xf32> to vector<2048xf32>
    %broadcast_in_dim3A_94 = vector.shape_cast %reduce_sum3A_93 : vector<2048xf32> to vector<2048x1xf32>
    %lt3A_95 = vector.broadcast %broadcast_in_dim3A_39 : vector<2048x1xi32> to vector<2048x8xi32>
    %lt3A_96 = arith.cmpi slt, %iota3A, %lt3A_95 : vector<2048x8xi32>
    %jit3A_97 = arith.constant 0.000000e+00 : f32
    %broadcast_in_dim3A_98 = vector.broadcast %jit3A_97 : f32 to vector<2048x8xf32>
    %select_n3A_99 = arith.select %lt3A_96, %broadcast_in_dim3A_86, %broadcast_in_dim3A_98 : vector<2048x8xi1>, vector<2048x8xf32>
    %reduce_sum3A_100 = arith.constant dense<0.000000e+00> : vector<2048xf32>
    %reduce_sum3A_101 = vector.multi_reduction <add>, %select_n3A_99, %reduce_sum3A_100 [1] : vector<2048x8xf32> to vector<2048xf32>
    %broadcast_in_dim3A_102 = vector.shape_cast %reduce_sum3A_101 : vector<2048xf32> to vector<2048x1xf32>
    %add3A_103 = arith.addf %broadcast_in_dim3A_94, %broadcast_in_dim3A_68 : vector<2048x1xf32>
    %convert_element_type3A_104 = arith.fptosi %add3A_103 : vector<2048x1xf32> to vector<2048x1xi32>
    %add3A_105 = arith.addf %broadcast_in_dim3A_102, %broadcast_in_dim3A_72 : vector<2048x1xf32>
    %convert_element_type3A_106 = arith.fptosi %add3A_105 : vector<2048x1xf32> to vector<2048x1xi32>
    %concatenate3A_107 = tpu.concatenate %convert_element_type3A_104, %convert_element_type3A_106 in 1 : vector<2048x1xi32>, vector<2048x1xi32> -> vector<2048x2xi32>
    %swap3A_108 = arith.constant 0 : index
    %swap3A_109 = arith.constant 0 : index
    %swap3A_110 = vector.load %arg7[%swap3A_108, %swap3A_109] : memref<2048x2xi32, #tpu.memory_space<vmem>>, vector<2048x2xi32>
    tpu.vector_store %arg7[%swap3A_108, %swap3A_109], %concatenate3A_107 {strides = array<i32>} : memref<2048x2xi32, #tpu.memory_space<vmem>>, vector<2048x2xi32>,
    %iota3A_111 = tpu.iota {dimensions = array<i32: 0>} : vector<8x8xi32>
    %iota3A_112 = tpu.iota {dimensions = array<i32: 1>} : vector<8x8xi32>
    %le3A = arith.cmpi sle, %iota3A_111, %iota3A_112 : vector<8x8xi32>
    %convert_element_type3A_113 = arith.extui %le3A : vector<8x8xi1> to vector<8x8xi32>
    %convert_element_type3A_114 = arith.sitofp %convert_element_type3A_113 : vector<8x8xi32> to vector<8x8xf32>
    %dot_general3A_115 = arith.constant dense<0.000000e+00> : vector<1x8xf32>
    %dot_general3A_116 = tpu.matmul %mul3A_84, %convert_element_type3A_114, %dot_general3A_115 {dimension_numbers = #tpu.dot_dimension_numbers<[1], [0], [0], [1], [0, 0, 1, 1], [], []>, transpose_lhs_hint = false} : vector<1x8xf32>, vector<8x8xf32>, vector<1x8xf32> -> vector<1x8xf32>
    %iota3A_117 = tpu.iota {dimensions = array<i32: 0>} : vector<40x1xi32>
    %convert_element_type3A_118 = arith.sitofp %iota3A_117 : vector<40x1xi32> to vector<40x1xf32>
    %mul3A_119 = arith.constant 1.280000e+02 : f32
    %mul3A_120 = vector.broadcast %mul3A_119 : f32 to vector<40x1xf32>
    %mul3A_121 = arith.mulf %convert_element_type3A_118, %mul3A_120 : vector<40x1xf32>
    %broadcast_in_dim3A_122 = vector.shape_cast %mul3A_121 : vector<40x1xf32> to vector<40x1xf32>
    %broadcast_in_dim3A_123 = vector.broadcast %broadcast_in_dim3A_122 : vector<40x1xf32> to vector<40x8xf32>
    %broadcast_in_dim3A_124 = vector.shape_cast %dot_general3A_116 : vector<1x8xf32> to vector<1x8xf32>
    %broadcast_in_dim3A_125 = vector.broadcast %broadcast_in_dim3A_124 : vector<1x8xf32> to vector<40x8xf32>
    %le3A_126 = arith.cmpf ole, %broadcast_in_dim3A_125, %broadcast_in_dim3A_123 : vector<40x8xf32>
    %convert_element_type3A_127 = arith.extui %le3A_126 : vector<40x8xi1> to vector<40x8xi32>
    %reduce_sum3A_128 = arith.constant dense<0> : vector<40xi32>
    %reduce_sum3A_129 = vector.multi_reduction <add>, %convert_element_type3A_127, %reduce_sum3A_128 [1] : vector<40x8xi32> to vector<40xi32>
    %broadcast_in_dim3A_130 = vector.shape_cast %reduce_sum3A_129 : vector<40xi32> to vector<40x1xi32>
    %min3A = arith.constant 7 : i32
    %min3A_131 = vector.broadcast %min3A : i32 to vector<40x1xi32>
    %min3A_132 = arith.minsi %broadcast_in_dim3A_130, %min3A_131 : vector<40x1xi32>
    %swap3A_133 = arith.constant 0 : index
    %swap3A_134 = arith.constant 0 : index
    %swap3A_135 = vector.load %arg8[%swap3A_133, %swap3A_134] : memref<40x1xi32, #tpu.memory_space<vmem>>, vector<40x1xi32>
    tpu.vector_store %arg8[%swap3A_133, %swap3A_134], %min3A_132 {strides = array<i32>} : memref<40x1xi32, #tpu.memory_space<vmem>>, vector<40x1xi32>,
    return
  }
}

module attributes {stable_mosaic.version = 14 : i64} {
  func.func @_shared_ffn_body(%arg0: i32, %arg1: memref<256x1024xf32, #tpu.memory_space<vmem>>, %arg2: memref<1024x1024xf32, #tpu.memory_space<vmem>>, %arg3: memref<1024x1024xf32, #tpu.memory_space<vmem>>, %arg4: memref<1024x1024xf32, #tpu.memory_space<vmem>>, %arg5: memref<1x1024xf32, #tpu.memory_space<vmem>>, %arg6: memref<256x1024xf32, #tpu.memory_space<vmem>>) attributes {dimension_semantics = [#tpu.dimension_semantics<arbitrary>], iteration_bounds = array<i64: 8>, scalar_prefetch = 0 : i64, scratch_operands = 0 : i64, tpu.core_type = #tpu.core_type<tc>, window_params = [{transform_indices = @transform_0, window_bounds = array<i64: 256, 1024>}, {pipeline_mode = #tpu.pipeline_mode<synchronous>, transform_indices = @transform_1, window_bounds = array<i64: 1024, 1024>}, {pipeline_mode = #tpu.pipeline_mode<synchronous>, transform_indices = @transform_2, window_bounds = array<i64: 1024, 1024>}, {pipeline_mode = #tpu.pipeline_mode<synchronous>, transform_indices = @transform_3, window_bounds = array<i64: 1024, 1024>}, {pipeline_mode = #tpu.pipeline_mode<synchronous>, transform_indices = @transform_4, window_bounds = array<i64: 1, 1024>}, {transform_indices = @transform_5, window_bounds = array<i64: 256, 1024>}]} {
    %get3A = arith.constant 0 : index
    %get3A_0 = arith.constant 0 : index
    %get3A_1 = vector.load %arg1[%get3A, %get3A_0] : memref<256x1024xf32, #tpu.memory_space<vmem>>, vector<256x1024xf32>
    %get3A_2 = arith.constant 0 : index
    %get3A_3 = arith.constant 0 : index
    %get3A_4 = vector.load %arg2[%get3A_2, %get3A_3] : memref<1024x1024xf32, #tpu.memory_space<vmem>>, vector<1024x1024xf32>
    %dot_general3A = arith.constant dense<0.000000e+00> : vector<256x1024xf32>
    %dot_general3A_5 = tpu.matmul %get3A_1, %get3A_4, %dot_general3A {dimension_numbers = #tpu.dot_dimension_numbers<[1], [0], [0], [1], [0, 0, 1, 1], [], []>, transpose_lhs_hint = false} : vector<256x1024xf32>, vector<1024x1024xf32>, vector<256x1024xf32> -> vector<256x1024xf32>
    %get3A_6 = arith.constant 0 : index
    %get3A_7 = arith.constant 0 : index
    %get3A_8 = vector.load %arg3[%get3A_6, %get3A_7] : memref<1024x1024xf32, #tpu.memory_space<vmem>>, vector<1024x1024xf32>
    %dot_general3A_9 = arith.constant dense<0.000000e+00> : vector<256x1024xf32>
    %dot_general3A_10 = tpu.matmul %get3A_1, %get3A_8, %dot_general3A_9 {dimension_numbers = #tpu.dot_dimension_numbers<[1], [0], [0], [1], [0, 0, 1, 1], [], []>, transpose_lhs_hint = false} : vector<256x1024xf32>, vector<1024x1024xf32>, vector<256x1024xf32> -> vector<256x1024xf32>
    %logistic3A = arith.negf %dot_general3A_5 : vector<256x1024xf32>
    %logistic3A_11 = math.exp %logistic3A : vector<256x1024xf32>
    %logistic3A_12 = arith.constant 1.000000e+00 : f32
    %logistic3A_13 = vector.broadcast %logistic3A_12 : f32 to vector<256x1024xf32>
    %logistic3A_14 = arith.addf %logistic3A_13, %logistic3A_11 : vector<256x1024xf32>
    %logistic3A_15 = arith.divf %logistic3A_13, %logistic3A_14 : vector<256x1024xf32>
    %mul3A = arith.mulf %dot_general3A_5, %logistic3A_15 : vector<256x1024xf32>
    %mul3A_16 = arith.mulf %mul3A, %dot_general3A_10 : vector<256x1024xf32>
    %get3A_17 = arith.constant 0 : index
    %get3A_18 = arith.constant 0 : index
    %get3A_19 = vector.load %arg4[%get3A_17, %get3A_18] : memref<1024x1024xf32, #tpu.memory_space<vmem>>, vector<1024x1024xf32>
    %dot_general3A_20 = arith.constant dense<0.000000e+00> : vector<256x1024xf32>
    %dot_general3A_21 = tpu.matmul %mul3A_16, %get3A_19, %dot_general3A_20 {dimension_numbers = #tpu.dot_dimension_numbers<[1], [0], [0], [1], [0, 0, 1, 1], [], []>, transpose_lhs_hint = false} : vector<256x1024xf32>, vector<1024x1024xf32>, vector<256x1024xf32> -> vector<256x1024xf32>
    %get3A_22 = arith.constant 0 : index
    %get3A_23 = arith.constant 0 : index
    %get3A_24 = vector.load %arg5[%get3A_22, %get3A_23] : memref<1x1024xf32, #tpu.memory_space<vmem>>, vector<1x1024xf32>
    %add3A = vector.broadcast %get3A_24 : vector<1x1024xf32> to vector<256x1024xf32>
    %add3A_25 = arith.addf %dot_general3A_21, %add3A : vector<256x1024xf32>
    %swap3A = arith.constant 0 : index
    %swap3A_26 = arith.constant 0 : index
    %swap3A_27 = vector.load %arg6[%swap3A, %swap3A_26] : memref<256x1024xf32, #tpu.memory_space<vmem>>, vector<256x1024xf32>
    tpu.vector_store %arg6[%swap3A, %swap3A_26], %add3A_25 {strides = array<i32>} : memref<256x1024xf32, #tpu.memory_space<vmem>>, vector<256x1024xf32>,
    return
  }
  func.func @transform_0(%arg0: i32) -> (i32, i32) {
    %c0_i32 = arith.constant 0 : i32
    %c0_i32_0 = arith.constant 0 : i32
    return %arg0, %c0_i32 : i32, i32
  }
  func.func @transform_1(%arg0: i32) -> (i32, i32) {
    %c0_i32 = arith.constant 0 : i32
    %c0_i32_0 = arith.constant 0 : i32
    %c0_i32_1 = arith.constant 0 : i32
    return %c0_i32, %c0_i32_0 : i32, i32
  }
  func.func @transform_2(%arg0: i32) -> (i32, i32) {
    %c0_i32 = arith.constant 0 : i32
    %c0_i32_0 = arith.constant 0 : i32
    %c0_i32_1 = arith.constant 0 : i32
    return %c0_i32, %c0_i32_0 : i32, i32
  }
  func.func @transform_3(%arg0: i32) -> (i32, i32) {
    %c0_i32 = arith.constant 0 : i32
    %c0_i32_0 = arith.constant 0 : i32
    %c0_i32_1 = arith.constant 0 : i32
    return %c0_i32, %c0_i32_0 : i32, i32
  }
  func.func @transform_4(%arg0: i32) -> (i32, i32) {
    %c0_i32 = arith.constant 0 : i32
    %c0_i32_0 = arith.constant 0 : i32
    %c0_i32_1 = arith.constant 0 : i32
    return %c0_i32, %c0_i32_0 : i32, i32
  }
  func.func @transform_5(%arg0: i32) -> (i32, i32) {
    %c0_i32 = arith.constant 0 : i32
    %c0_i32_0 = arith.constant 0 : i32
    return %arg0, %c0_i32 : i32, i32
  }
}

module attributes {stable_mosaic.version = 14 : i64} {
  func.func @_grouped_ffn_body(%arg0: i32, %arg1: memref<40xi32, #tpu.memory_space<smem>>, %arg2: memref<8x128xf32, #tpu.memory_space<vmem>>, %arg3: memref<128x1024xf32, #tpu.memory_space<vmem>>, %arg4: memref<1x1024x1024xf32, #tpu.memory_space<vmem>>, %arg5: memref<1x1024x1024xf32, #tpu.memory_space<vmem>>, %arg6: memref<1x1024x1024xf32, #tpu.memory_space<vmem>>, %arg7: memref<1x1x1024xf32, #tpu.memory_space<vmem>>, %arg8: memref<128x1024xf32, #tpu.memory_space<vmem>>) attributes {dimension_semantics = [#tpu.dimension_semantics<arbitrary>], iteration_bounds = array<i64: 40>, scalar_prefetch = 1 : i64, scratch_operands = 0 : i64, tpu.core_type = #tpu.core_type<tc>, window_params = [{transform_indices = @transform_0, window_bounds = array<i64: 8, 128>}, {transform_indices = @transform_1, window_bounds = array<i64: 128, 1024>}, {transform_indices = @transform_2, window_bounds = array<i64: 1, 1024, 1024>}, {transform_indices = @transform_3, window_bounds = array<i64: 1, 1024, 1024>}, {transform_indices = @transform_4, window_bounds = array<i64: 1, 1024, 1024>}, {transform_indices = @transform_5, window_bounds = array<i64: 1, 1, 1024>}, {transform_indices = @transform_6, window_bounds = array<i64: 128, 1024>}]} {
    %get3A = arith.constant 0 : index
    %get3A_0 = arith.constant 0 : index
    %get3A_1 = vector.load %arg3[%get3A, %get3A_0] : memref<128x1024xf32, #tpu.memory_space<vmem>>, vector<128x1024xf32>
    %get3A_2 = arith.constant 0 : index
    %get3A_3 = arith.constant 0 : index
    %get3A_4 = arith.constant 0 : index
    %get3A_5 = vector.load %arg4[%get3A_2, %get3A_3, %get3A_4] : memref<1x1024x1024xf32, #tpu.memory_space<vmem>>, vector<1x1024x1024xf32>
    %get3A_6 = vector.shape_cast %get3A_5 : vector<1x1024x1024xf32> to vector<1024x1024xf32>
    %dot_general3A = arith.constant dense<0.000000e+00> : vector<128x1024xf32>
    %dot_general3A_7 = tpu.matmul %get3A_1, %get3A_6, %dot_general3A {dimension_numbers = #tpu.dot_dimension_numbers<[1], [0], [0], [1], [0, 0, 1, 1], [], []>, transpose_lhs_hint = false} : vector<128x1024xf32>, vector<1024x1024xf32>, vector<128x1024xf32> -> vector<128x1024xf32>
    %get3A_8 = arith.constant 0 : index
    %get3A_9 = arith.constant 0 : index
    %get3A_10 = arith.constant 0 : index
    %get3A_11 = vector.load %arg5[%get3A_8, %get3A_9, %get3A_10] : memref<1x1024x1024xf32, #tpu.memory_space<vmem>>, vector<1x1024x1024xf32>
    %get3A_12 = vector.shape_cast %get3A_11 : vector<1x1024x1024xf32> to vector<1024x1024xf32>
    %dot_general3A_13 = arith.constant dense<0.000000e+00> : vector<128x1024xf32>
    %dot_general3A_14 = tpu.matmul %get3A_1, %get3A_12, %dot_general3A_13 {dimension_numbers = #tpu.dot_dimension_numbers<[1], [0], [0], [1], [0, 0, 1, 1], [], []>, transpose_lhs_hint = false} : vector<128x1024xf32>, vector<1024x1024xf32>, vector<128x1024xf32> -> vector<128x1024xf32>
    %logistic3A = arith.negf %dot_general3A_7 : vector<128x1024xf32>
    %logistic3A_15 = math.exp %logistic3A : vector<128x1024xf32>
    %logistic3A_16 = arith.constant 1.000000e+00 : f32
    %logistic3A_17 = vector.broadcast %logistic3A_16 : f32 to vector<128x1024xf32>
    %logistic3A_18 = arith.addf %logistic3A_17, %logistic3A_15 : vector<128x1024xf32>
    %logistic3A_19 = arith.divf %logistic3A_17, %logistic3A_18 : vector<128x1024xf32>
    %mul3A = arith.mulf %dot_general3A_7, %logistic3A_19 : vector<128x1024xf32>
    %mul3A_20 = arith.mulf %mul3A, %dot_general3A_14 : vector<128x1024xf32>
    %get3A_21 = arith.constant 0 : index
    %get3A_22 = arith.constant 0 : index
    %get3A_23 = arith.constant 0 : index
    %get3A_24 = vector.load %arg6[%get3A_21, %get3A_22, %get3A_23] : memref<1x1024x1024xf32, #tpu.memory_space<vmem>>, vector<1x1024x1024xf32>
    %get3A_25 = vector.shape_cast %get3A_24 : vector<1x1024x1024xf32> to vector<1024x1024xf32>
    %dot_general3A_26 = arith.constant dense<0.000000e+00> : vector<128x1024xf32>
    %dot_general3A_27 = tpu.matmul %mul3A_20, %get3A_25, %dot_general3A_26 {dimension_numbers = #tpu.dot_dimension_numbers<[1], [0], [0], [1], [0, 0, 1, 1], [], []>, transpose_lhs_hint = false} : vector<128x1024xf32>, vector<1024x1024xf32>, vector<128x1024xf32> -> vector<128x1024xf32>
    %get3A_28 = arith.constant 0 : index
    %get3A_29 = arith.constant 0 : index
    %get3A_30 = arith.constant 0 : index
    %get3A_31 = vector.load %arg7[%get3A_28, %get3A_29, %get3A_30] : memref<1x1x1024xf32, #tpu.memory_space<vmem>>, vector<1x1x1024xf32>
    %get3A_32 = vector.shape_cast %get3A_31 : vector<1x1x1024xf32> to vector<1x1024xf32>
    %add3A = vector.broadcast %get3A_32 : vector<1x1024xf32> to vector<128x1024xf32>
    %add3A_33 = arith.addf %dot_general3A_27, %add3A : vector<128x1024xf32>
    %swap3A = arith.constant 0 : index
    %swap3A_34 = arith.constant 0 : index
    %swap3A_35 = vector.load %arg8[%swap3A, %swap3A_34] : memref<128x1024xf32, #tpu.memory_space<vmem>>, vector<128x1024xf32>
    tpu.vector_store %arg8[%swap3A, %swap3A_34], %add3A_33 {strides = array<i32>} : memref<128x1024xf32, #tpu.memory_space<vmem>>, vector<128x1024xf32>,
    return
  }
  func.func @transform_0(%arg0: i32, %arg1: memref<40xi32, #tpu.memory_space<smem>>) -> (i32, i32) {
    %c0_i32 = arith.constant 0 : i32
    %c0_i32_0 = arith.constant 0 : i32
    %c0_i32_1 = arith.constant 0 : i32
    return %c0_i32, %c0_i32_0 : i32, i32
  }
  func.func @transform_1(%arg0: i32, %arg1: memref<40xi32, #tpu.memory_space<smem>>) -> (i32, i32) {
    %c0_i32 = arith.constant 0 : i32
    %c0_i32_0 = arith.constant 0 : i32
    return %arg0, %c0_i32 : i32, i32
  }
  func.func @transform_2(%arg0: i32, %arg1: memref<40xi32, #tpu.memory_space<smem>>) -> (i32, i32, i32) {
    %get3A = arith.index_cast %arg0 : i32 to index
    %get3A_0 = memref.load %arg1[%get3A] : memref<40xi32, #tpu.memory_space<smem>>
    %c0_i32 = arith.constant 0 : i32
    %c0_i32_1 = arith.constant 0 : i32
    %c0_i32_2 = arith.constant 0 : i32
    return %get3A_0, %c0_i32, %c0_i32_1 : i32, i32, i32
  }
  func.func @transform_3(%arg0: i32, %arg1: memref<40xi32, #tpu.memory_space<smem>>) -> (i32, i32, i32) {
    %get3A = arith.index_cast %arg0 : i32 to index
    %get3A_0 = memref.load %arg1[%get3A] : memref<40xi32, #tpu.memory_space<smem>>
    %c0_i32 = arith.constant 0 : i32
    %c0_i32_1 = arith.constant 0 : i32
    %c0_i32_2 = arith.constant 0 : i32
    return %get3A_0, %c0_i32, %c0_i32_1 : i32, i32, i32
  }
  func.func @transform_4(%arg0: i32, %arg1: memref<40xi32, #tpu.memory_space<smem>>) -> (i32, i32, i32) {
    %get3A = arith.index_cast %arg0 : i32 to index
    %get3A_0 = memref.load %arg1[%get3A] : memref<40xi32, #tpu.memory_space<smem>>
    %c0_i32 = arith.constant 0 : i32
    %c0_i32_1 = arith.constant 0 : i32
    %c0_i32_2 = arith.constant 0 : i32
    return %get3A_0, %c0_i32, %c0_i32_1 : i32, i32, i32
  }
  func.func @transform_5(%arg0: i32, %arg1: memref<40xi32, #tpu.memory_space<smem>>) -> (i32, i32, i32) {
    %get3A = arith.index_cast %arg0 : i32 to index
    %get3A_0 = memref.load %arg1[%get3A] : memref<40xi32, #tpu.memory_space<smem>>
    %c0_i32 = arith.constant 0 : i32
    %c0_i32_1 = arith.constant 0 : i32
    %c0_i32_2 = arith.constant 0 : i32
    return %get3A_0, %c0_i32, %c0_i32_1 : i32, i32, i32
  }
  func.func @transform_6(%arg0: i32, %arg1: memref<40xi32, #tpu.memory_space<smem>>) -> (i32, i32) {
    %c0_i32 = arith.constant 0 : i32
    %c0_i32_0 = arith.constant 0 : i32
    return %arg0, %c0_i32 : i32, i32
  }
}

module attributes {stable_mosaic.version = 14 : i64} {
  func.func @_combine_body(%arg0: i32, %arg1: memref<256x1024xf32, #tpu.memory_space<vmem>>, %arg2: memref<256x1024xf32, #tpu.memory_space<vmem>>, %arg3: memref<256x1024xf32, #tpu.memory_space<vmem>>, %arg4: memref<256x1xf32, #tpu.memory_space<vmem>>, %arg5: memref<256x1xf32, #tpu.memory_space<vmem>>, %arg6: memref<256x1024xf32, #tpu.memory_space<vmem>>) attributes {dimension_semantics = [#tpu.dimension_semantics<arbitrary>], iteration_bounds = array<i64: 8>, scalar_prefetch = 0 : i64, scratch_operands = 0 : i64, tpu.core_type = #tpu.core_type<tc>, window_params = [{transform_indices = @transform_0, window_bounds = array<i64: 256, 1024>}, {transform_indices = @transform_1, window_bounds = array<i64: 256, 1024>}, {transform_indices = @transform_2, window_bounds = array<i64: 256, 1024>}, {transform_indices = @transform_3, window_bounds = array<i64: 256, 1>}, {transform_indices = @transform_4, window_bounds = array<i64: 256, 1>}, {transform_indices = @transform_5, window_bounds = array<i64: 256, 1024>}]} {
    %get3A = arith.constant 0 : index
    %get3A_0 = arith.constant 0 : index
    %get3A_1 = vector.load %arg1[%get3A, %get3A_0] : memref<256x1024xf32, #tpu.memory_space<vmem>>, vector<256x1024xf32>
    %get3A_2 = arith.constant 0 : index
    %get3A_3 = arith.constant 0 : index
    %get3A_4 = vector.load %arg4[%get3A_2, %get3A_3] : memref<256x1xf32, #tpu.memory_space<vmem>>, vector<256x1xf32>
    %get3A_5 = arith.constant 0 : index
    %get3A_6 = arith.constant 0 : index
    %get3A_7 = vector.load %arg2[%get3A_5, %get3A_6] : memref<256x1024xf32, #tpu.memory_space<vmem>>, vector<256x1024xf32>
    %mul3A = vector.broadcast %get3A_4 : vector<256x1xf32> to vector<256x1024xf32>
    %mul3A_8 = arith.mulf %mul3A, %get3A_7 : vector<256x1024xf32>
    %add3A = arith.addf %get3A_1, %mul3A_8 : vector<256x1024xf32>
    %get3A_9 = arith.constant 0 : index
    %get3A_10 = arith.constant 0 : index
    %get3A_11 = vector.load %arg5[%get3A_9, %get3A_10] : memref<256x1xf32, #tpu.memory_space<vmem>>, vector<256x1xf32>
    %get3A_12 = arith.constant 0 : index
    %get3A_13 = arith.constant 0 : index
    %get3A_14 = vector.load %arg3[%get3A_12, %get3A_13] : memref<256x1024xf32, #tpu.memory_space<vmem>>, vector<256x1024xf32>
    %mul3A_15 = vector.broadcast %get3A_11 : vector<256x1xf32> to vector<256x1024xf32>
    %mul3A_16 = arith.mulf %mul3A_15, %get3A_14 : vector<256x1024xf32>
    %add3A_17 = arith.addf %add3A, %mul3A_16 : vector<256x1024xf32>
    %swap3A = arith.constant 0 : index
    %swap3A_18 = arith.constant 0 : index
    %swap3A_19 = vector.load %arg6[%swap3A, %swap3A_18] : memref<256x1024xf32, #tpu.memory_space<vmem>>, vector<256x1024xf32>
    tpu.vector_store %arg6[%swap3A, %swap3A_18], %add3A_17 {strides = array<i32>} : memref<256x1024xf32, #tpu.memory_space<vmem>>, vector<256x1024xf32>,
    return
  }
  func.func @transform_0(%arg0: i32) -> (i32, i32) {
    %c0_i32 = arith.constant 0 : i32
    %c0_i32_0 = arith.constant 0 : i32
    return %arg0, %c0_i32 : i32, i32
  }
  func.func @transform_1(%arg0: i32) -> (i32, i32) {
    %c0_i32 = arith.constant 0 : i32
    %c0_i32_0 = arith.constant 0 : i32
    return %arg0, %c0_i32 : i32, i32
  }
  func.func @transform_2(%arg0: i32) -> (i32, i32) {
    %c0_i32 = arith.constant 0 : i32
    %c0_i32_0 = arith.constant 0 : i32
    return %arg0, %c0_i32 : i32, i32
  }
  func.func @transform_3(%arg0: i32) -> (i32, i32) {
    %c0_i32 = arith.constant 0 : i32
    %c0_i32_0 = arith.constant 0 : i32
    return %arg0, %c0_i32 : i32, i32
  }
  func.func @transform_4(%arg0: i32) -> (i32, i32) {
    %c0_i32 = arith.constant 0 : i32
    %c0_i32_0 = arith.constant 0 : i32
    return %arg0, %c0_i32 : i32, i32
  }
  func.func @transform_5(%arg0: i32) -> (i32, i32) {
    %c0_i32 = arith.constant 0 : i32
    %c0_i32_0 = arith.constant 0 : i32
    return %arg0, %c0_i32 : i32, i32
  }
}

</mosaic_0001>

<sc_bundles>
// kernel: kernel.11.cloned.1.call-start
scs
__scs_entry_jumppad:
0x0: {  	(pc) =	sbr.rel $0x88, $3  }
0x1: {  	(tag) =	ssettag $0x0;
	lr =	simm.s32 $0x1  }
0x2: {  	[smem:$0x3F96] =	sst lr;
	_ =	strace $0xD0000000  }
0x3: {  	_ = 	snop  }
0x4: {  	_ = 	snop  }
0x5: {  	_ = 	snop  }
0x6: {  	_ = 	snop  }
0x7: {  	_ = 	snop  }
__scs_overlays_trampoline_lowered:
0x8: {  	[smem:$0x3FA5] =	sst s0  }
0x9: {  	[smem:$0x3FA6] =	sst s1  }
0xa: {  	[smem:$0x3FA7] =	sst s2  }
0xb: {  	[smem:$0x3FA8] =	sst s3  }
0xc: {  	[smem:$0x3FA9] =	sst s4  }
0xd: {  	[smem:$0x3FAA] =	sst s5  }
0xe: {  	[smem:$0x3FAB] =	sst s6  }
0xf: {  	[smem:$0x3FAC] =	sst s7  }
0x10: {  	[smem:$0x3FAD] =	sst s8  }
0x11: {  	[smem:$0x3FAE] =	sst s9;
	s0 =	simm.s32 @!p0 $0x0  }
0x12: {  	s1 =	sld [smem:$0x3F94];
	s0 =	simm.s32 @p0 $0x1  }
0x13: {  	[smem:$0x3FAF] =	sst s0;
	s0 =	simm.s32 @!p1 $0x0  }
0x14: {  	s2 =	sld [smem:$0x3F93];
	s0 =	simm.s32 @p1 $0x1  }
0x15: {  	[smem:$0x3FB0] =	sst s0;
	s0 =	simm.s32 @!p2 $0x0  }
0x16: {  	s3 =	sld [smem:$0x3FDB];
	s0 =	simm.s32 @p2 $0x1  }
0x17: {  	s4 =	simm.s32 $0x1BF5;
	[smem:$0x3FB2] =	sst s0  }
0x18: {  	s0 =	sld [smem:$0x3F95];
	_ =	swait.ge [sflag:s4], $0x0  }
0x19: {  	s7 =	sld [smem:$0x3F96]  }
0x1a: {  	s8 =	sadd.s32 $0xFFFFE003, lr  }
0x1b: {  	s9 =	sadd.s32 $0xFFFFFEF7, lr;
	s5 =	simm.s32 $0xFFFFFFFF;
	p2 =	slt.u32 s8, $0xFFFFF086  }
0x1c: {  	p1 =	slt.u32 s9, $0xF7A;
	s5 =	simm.s32 @!p2 $0x0  }
0x1d: {  	s5 =	simm.s32 @p1 $0x1;
	p0 =	seq.s32 s7, s2  }
0x1e: {  	s7 =	smul.u32 @!p0 $0xF7A, s2;
	p2 =	seq.s32 @!p0 s5, $0x0  }
0x1f: {  	s9 =	smul.u32 $0xF7A, s1;
	s8 =	simm.s32 @!p0 $0x1BF5;
	p2 =	por !p2, p0  }
0x20: {  	[sflag:s8] =	ssyncset.s32 @!p0 $0xFFFFF086;
	s6 =	sadd.s32 @!p0 s3, s7;
	s7 =	simm.s32 @!p0 $0x108  }
0x21: {  	s3 =	sadd.s32 s3, s9;
	s6 =	sadd.s32 @!p0 $0x88, s6;
	s7 =	simm.s32 @p2 $0x1082  }
0x22: {  	[simem:s7], [sflag:s8] =	dma.local @!p0 [hbm:s6], $0xF7A  }
0x23: {  	s9 =	sor.u32 $0xD0000000, s2;
	s6 =	simm.s32 $0x108;
	_ =	swait.ge @!p0 [sflag:s8], $0x0  }
0x24: {  	s3 =	sadd.s32 $0x88, s3;
	s6 =	simm.s32 @!p1 $0x1082;
	[sflag:s4] =	ssyncset.s32 $0xFFFFF086  }
0x25: {  	[simem:s6], [sflag:s4] =	dma.local [hbm:s3], $0xF7A  }
0x26: {  	[smem:$0x3F96] =	sst s1;
	(tag) =	ssettag s2;
	_ =	strace s9  }
0x27: {  	s1 =	sld [smem:$0x3FA6]  }
0x28: {  	s2 =	sld [smem:$0x3FA7]  }
0x29: {  	s4 =	sld [smem:$0x3FA9]  }
0x2a: {  	p0 =	seq.s32 s5, $0x0;
	s5 =	sld [smem:$0x3FAA]  }
0x2b: {  	s6 =	sld [smem:$0x3FAB]  }
0x2c: {  	s7 =	sld [smem:$0x3FAC]  }
0x2d: {  	s3 =	simm.s32 $0x108;
	s8 =	sld [smem:$0x3FAD]  }
0x2e: {  	s3 =	simm.s32 @!p0 $0x1082;
	s9 =	sld [smem:$0x3FAE]  }
0x2f: {  	lr =	sadd.s32 s0, s3;
	s0 =	sld [smem:$0x3FA5]  }
0x30: {  	s3 =	sld [smem:$0x3FA8]  }
0x31: {  	[smem:$0x3FB1] =	sst s10  }
0x32: {  	s10 =	sld [smem:$0x3FAF];
	_ =	sdelay $0x3  }
0x33: {  	p0 =	seq.s32 s10, $0x1;
	s10 =	sld [smem:$0x3FB1];
	_ =	sdelay $0x3  }
0x34: {  	[smem:$0x3FB1] =	sst s10  }
0x35: {  	s10 =	sld [smem:$0x3FB0];
	_ =	sdelay $0x3  }
0x36: {  	p1 =	seq.s32 s10, $0x1;
	s10 =	sld [smem:$0x3FB1];
	_ =	sdelay $0x3  }
0x37: {  	[smem:$0x3FB1] =	sst s10  }
0x38: {  	s10 =	sld [smem:$0x3FB2]  }
0x39: {  	_ = 	snop;
	(pc) =	sbr.ind lr, $3  }
0x3a: {  	_ = 	snop  }
0x3b: {  	_ = 	snop  }
0x3c: {  	p2 =	seq.s32 s10, $0x1;
	s10 =	sld [smem:$0x3FB1]  }
0x3d: {  	_ =	shalt  }
0x3e: {  	_ =	shalt  }
0x3f: {  	_ =	shalt  }
0x40: {  	_ =	shalt  }
0x41: {  	_ =	shalt  }
0x42: {  	_ =	shalt  }
0x43: {  	_ =	shalt  }
0x44: {  	_ =	shalt  }
0x45: {  	_ =	shalt  }
0x46: {  	_ =	shalt  }
0x47: {  	_ =	shalt  }
0x48: {  	_ =	shalt  }
0x49: {  	_ =	shalt  }
0x4a: {  	_ =	shalt  }
0x4b: {  	_ =	shalt  }
0x4c: {  	_ =	shalt  }
0x4d: {  	_ =	shalt  }
0x4e: {  	_ =	shalt  }
0x4f: {  	_ =	shalt  }
0x50: {  	_ =	shalt  }
0x51: {  	_ =	shalt  }
0x52: {  	_ =	shalt  }
0x53: {  	_ =	shalt  }
0x54: {  	_ =	shalt  }
0x55: {  	_ =	shalt  }
0x56: {  	_ =	shalt  }
0x57: {  	_ =	shalt  }
0x58: {  	_ =	shalt  }
0x59: {  	_ =	shalt  }
0x5a: {  	_ =	shalt  }
0x5b: {  	_ =	shalt  }
0x5c: {  	_ =	shalt  }
0x5d: {  	_ =	shalt  }
0x5e: {  	_ =	shalt  }
0x5f: {  	_ =	shalt  }
0x60: {  	_ =	shalt  }
0x61: {  	_ =	shalt  }
0x62: {  	_ =	shalt  }
0x63: {  	_ =	shalt  }
0x64: {  	_ =	shalt  }
0x65: {  	_ =	shalt  }
0x66: {  	_ =	shalt  }
0x67: {  	_ =	shalt  }
0x68: {  	_ =	shalt  }
0x69: {  	_ =	shalt  }
0x6a: {  	_ =	shalt  }
0x6b: {  	_ =	shalt  }
0x6c: {  	_ =	shalt  }
0x6d: {  	_ =	shalt  }
0x6e: {  	_ =	shalt  }
0x6f: {  	_ =	shalt  }
0x70: {  	_ =	shalt  }
0x71: {  	_ =	shalt  }
0x72: {  	_ =	shalt  }
0x73: {  	_ =	shalt  }
0x74: {  	_ =	shalt  }
0x75: {  	_ =	shalt  }
0x76: {  	_ =	shalt  }
0x77: {  	_ =	shalt  }
0x78: {  	_ =	shalt  }
0x79: {  	_ =	shalt  }
0x7a: {  	_ =	shalt  }
0x7b: {  	_ =	shalt  }
0x7c: {  	_ =	shalt  }
0x7d: {  	_ =	shalt  }
0x7e: {  	_ =	shalt  }
0x7f: {  	_ =	shalt  }
0x80: {  	_ =	shalt  }
0x81: {  	_ =	shalt  }
0x82: {  	_ =	shalt  }
0x83: {  	_ =	shalt  }
0x84: {  	_ =	shalt  }
0x85: {  	_ =	shalt  }
0x86: {  	_ =	shalt  }
0x87: {  	_ =	shalt  }
.Lfunc_end0:
.L_simem_size_0:
called_computation.1_lowered:
.L_overlay_start_0:
0x88: {  	s2 =	sld [smem:$0x3FD9]  }
0x89: {  	s3 =	sld [smem:$0x3FFE];
	_ =	sdelay $0x1  }
0x8a: {  	s1 =	srdreg.scid  }
0x8b: {  	s0 =	sand.u32 $0x1, s1  }
0x8c: {  	s14 =	sshll.u32 s0, $0xA;
	s2 =	sadd.s32 s3, s2  }
0x8d: {  	s2 =	sadd.s32 s2, s14  }
0x8e: {  	[smem:$0x3FBD] =	sst s2  }
0x8f: {  	_ = 	snop  }
0x90: {  	s2 =	sld [smem:$0x3FD0];
	_ =	sdelay $0x2  }
0x91: {  	s15 =	simm.s32 $0xA;
	s4 =	simm.s32 $0x10  }
0x92: {  	[smem:s4], [sflag:s15] =	dma.local [hbm:s2], $0x1  }
0x93: {  	_ =	swait.eq [sflag:s15], $0x1  }
0x94: {  	[sflag:s15] =	ssyncset.done $0x0  }
0x95: {  	[sflag:s15] =	ssyncadd.s32 $0xFFFFFFFF  }
0x96: {  	s16 =	sld [smem:$0x10];
	(tm) =	ssettm $0x1  }
0x97: {  	s17 =	sld [smem:$0x3FFB];
	_ =	sdelay $0x3  }
0x98: {  	_ =	strace s17  }
0x99: {  	s3 =	sld [smem:$0x3FFC];
	_ =	sdelay $0x3  }
0x9a: {  	_ =	strace s3  }
0x9b: {  	s3 =	sld [smem:$0x3FFD];
	_ =	sdelay $0x3  }
0x9c: {  	_ =	strace s3  }
0x9d: {  	_ =	strace $0x8FFFFFFF  }
0x9e: {  	s18 =	sld [smem:$0x3FDB];
	_ =	sdelay $0x1  }
0x9f: {  	s19 =	simm.s32 $_scs_section_size  }
0xa0: {  	s5 =	simm.s32 $_size__tile_overlayer_lowered;
	s6 =	simm.s32 $_tile_overlayer_lowered  }
0xa1: {  	s22 =	simm.s32 $0x1BFF;
	s21 =	sshll.u32 s6, $0x1;
	s3 =	sadd.s32 s19, s18  }
0xa2: {  	s7 =	simm.s32 $0x0;
	s20 =	sshll.u32 s5, $0x1;
	s5 =	sadd.s32 s21, s3  }
0xa3: {  	[timem:s7], [sflag:s22] =	dma.local [hbm:s5], s20  }
0xa4: {  	_ =	swait.ge [sflag:s22], s20  }
0xa5: {  	s4 =	ssub.s32 $0x0, s20;
	[sflag:s22] =	ssyncset.done $0x0  }
0xa6: {  	[sflag:s22] =	ssyncadd.s32 s4;
	_ =	sdelay $0x1  }
0xa7: {  	s23 =	simm.s32 $0x1B8B  }
0xa8: {  	_ =	swait.ge [sflag:s23], $0x1  }
0xa9: {  	[sflag:s23] =	ssyncset.done $0x0  }
0xaa: {  	s25 =	simm.s32 $0x1B8E;
	s24 =	sld [smem:$0x3FFE];
	[sflag:s23] =	ssyncadd.s32 $0xFFFFFFFF  }
0xab: {  	s26 =	simm.s32 $execute0_lowered;
	[smem:$0x3FD2] =	sst s25  }
0xac: {  	s5 =	sshll.u32 s26, $0x1;
	_ =	strace $0x80000049;
	[dreg:$0x1] =	wrdreg $0xFFFFFFFF  }
0xad: {  	s28 =	simm.s32 $_size_execute0_lowered;
	s3 =	sadd.s32 s3, s5;
	[dreg:$0x0] =	wrdreg $0x0  }
0xae: {  	s5 =	sshll.u32 s28, $0x1;
	[dreg:$0x2] =	wrdreg s3  }
0xaf: {  	[dreg:$0x3] =	wrdreg s5  }
0xb0: {  	[dreg:$0x4] =	wrdreg $0xC0  }
0xb1: {  	_ =	task [dreg:s7], $0x5FFFF  }
0xb2: {  	[dreg:$0x1] =	wrdreg $0xFFFFFFFF  }
0xb3: {  	[dreg:$0x0] =	wrdreg $0x60  }
0xb4: {  	[dreg:$0x2] =	wrdreg s24  }
0xb5: {  	[dreg:$0x3] =	wrdreg s16  }
0xb6: {  	[dreg:$0x4] =	wrdreg $0x9  }
0xb7: {  	_ =	task.clear_ibuf [dreg:s7], $0x5FFFF;
	_ =	strace $0x90000049  }
0xb8: {  	s29 =	simm.s32 $0x9;
	_ =	strace $0x8000004B  }
0xb9: {  	_ =	swait.ge [sflag:s29], $0x1  }
0xba: {  	[sflag:s29] =	ssyncadd.s32 $0xFFFFFFFF  }
0xbb: {  	_ =	strace $0x9000004B  }
0xbc: {  	_ =	sfence  }
0xbd: {  	s30 =	sld [smem:$0x0];
	_ =	sdelay $0x2  }
0xbe: {  	s31 =	sshll.u32 s1, $0xD;
	s1 =	sshrl.u32 s1, $0x2  }
0xbf: {  	s3 =	sand.u32 $0x4000, s31;
	s1 =	sadd.s32 s1, s30  }
0xc0: {  	s0 =	sor.u32 s3, s0;
	s1 =	sshll.u32 s1, $0x11  }
0xc1: {  	s0 =	sor.u32 s1, s0  }
0xc2: {  	s0 =	sadd.s32 $0x8F2B, s0  }
0xc3: {  	[sflag:s0] =	ssyncadd.remote.s32 $0x1  }
0xc4: {  	_ =	sfence.sel $0xFFFF  }
0xc5: {  	[dreg:$0x0] =	wrdreg $0xFFFFFFFF;
	(pc) =	sbr.abs _section_cstart, $3  }
0xc6: {  	[dreg:$0x1] =	wrdreg $0xFFFFFFFF  }
0xc7: {  	_ =	task.clear_ibuf [dreg:s7], $0x2FFFF;
	_ =	strace $0x9FFFFFFF  }
0xc8: {  	(tm) =	ssettm $0x7FFFFFFF  }
0xc9: {  	_ =	shalt  }
tec
execute0_lowered:
.L_overlay_start_1:
0x0: {  	(tag) =	ssettag $0x1  }
0x1: {  	s7 =	rddreg [dreg:$0x0]  }
0x2: {  	s9 =	rddreg [dreg:$0x1]  }
0x3: {  	s0 =	rddreg [dreg:$0x2];
	s2 =	simm.s32 $0x0;
	s3 =	srdreg.scid  }
0x4: {  	s1 =	stileid.u32;
	s14 =	simm.s32 $0x100;
	s15 =	simm.s32 $0x900  }
0x5: {  	s16 =	simm.s32 $0x1100;
	s17 =	simm.s32 $0x1900;
	s18 =	simm.s32 $0x2100  }
0x6: {  	s19 =	simm.s32 $0x2900;
	s20 =	simm.s32 $0x3100;
	s21 =	simm.s32 $0x3900  }
0x7: {  	s22 =	simm.s32 $0x4100;
	s23 =	simm.s32 $0x4900;
	s24 =	simm.s32 $0x5100  }
0x8: {  	s25 =	simm.s32 $0x5900;
	s28 =	simm.s32 $0x6900;
	s29 =	simm.s32 $0x7100  }
0x9: {  	s30 =	simm.s32 $0x7900;
	s31 =	simm.s32 $0x1;
	[smem:$0x7FF] =	sst s2  }
0xa: {  	s4 =	sand.u32 $0x1, s3;
	s26 =	sshll.u32 s1, $0x1;
	s3 =	sadd.s32 $0xA1E00, s7  }
0xb: {  	s11 =	sadd.s32 $0x1E00, s7;
	_ =	strace $0x8000004A;
	s5 =	sor.u32 s4, s26  }
0xc: {  	s4 =	ssub.s32 $0x2, s4;
	s26 =	simm.s32 $0x6100;
	s6 =	sshll.u32 s5, $0x5  }
0xd: {  	s8 =	sshrl.u32 s4, $0x1;
	s10 =	sshll.u32 s5, $0xD;
	s5 =	sadd.s32 $0xA1F00, s7  }
0xe: {  	s6 =	sadd.s32 s6, s7;
	s12 =	ssub.s32 s4, s8;
	s13 =	sor.u32 $0x1000, s10  }
0xf: {  	v2 =	vlaneseq.u32;
	s8 =	sadd.s32 s9, s10;
	s10 =	sadd.s32 s11, s10;
	s4 =	sadd.s32 $0x1A00, s6  }
0x10: {  	vm0 =	vmmov $0xffff;
	v1 =	vshrl.u32 v2, $0x3;
	s6 =	sadd.s32 $0xA2000, s7;
	s7 =	sadd.s32 $0xA2100, s7;
	s9 =	sadd.s32 s9, s13  }
0x11: {  	v0 =	vand.u32 $0x7, v2;
	v2 =	vor.u32 $0x8, v2;
	v1 =	vmul.u32 $0x8, v1;
	s11 =	sadd.s32 s11, s13;
	s12 =	smax.u32 s12, $0x1;
	s13 =	simm.s32 $0x2  }
.LBB2_1:
0x12: {  	[tilespmem:s2], [sflag:$0x2] =	stream.linear.gather [hbm4b:s4+s2], $0x100, $0x38;
	[tilespmem:$0x8100] =	vst v63  }
0x13: {  	_ =	swait.ge [sflag:s13], $0x100  }
0x14: {  	[sflag:s13] =	ssyncset.done $0x0  }
0x15: {  	[sflag:s13] =	ssyncadd.s32 $0xFFFFFF00  }
0x16: {  	v3 =	vld [tilespmem:$0x0];
	_ =	sdelay $0x4  }
0x17: {  	v4 =	vshll.u32 v3, $0x3  }
0x18: {  	v3 =	vand.u32 $0x7, v3;
	v4 =	vand.u32 $0xFFFFFFC0, v4  }
0x19: {  	v3 =	vor.u32 v3, v4  }
0x1a: {  	v4 =	vperm.xlane v3, v0;
	_ =	sdelay $0x1  }
0x1b: {  	v4 =	vadd.s32 v1, v4;
	_ =	sdelay $0x4  }
0x1c: {  	[tilespmem:s14], [sflag:$0x1] =	stream.indirect_vreg.gather [hbm4b:s3+s2], $0x80, v4, vm0, $0xb8;
	[tilespmem:$0x8100] =	vst v63  }
0x1d: {  	v3 =	vperm.xlane v3, v2  }
0x1e: {  	[tilespmem:s15], [sflag:$0x1] =	stream.indirect_vreg.gather [hbm4b:s5+s2], $0x80, v4, vm0, $0xb8;
	[tilespmem:$0x8100] =	vst v63  }
0x1f: {  	v3 =	vadd.s32 v1, v3  }
0x20: {  	[tilespmem:s16], [sflag:$0x1] =	stream.indirect_vreg.gather [hbm4b:s6+s2], $0x80, v4, vm0, $0xb8;
	[tilespmem:$0x8100] =	vst v63  }
0x21: {  	_ = 	snop  }
0x22: {  	[tilespmem:s17], [sflag:$0x1] =	stream.indirect_vreg.gather [hbm4b:s7+s2], $0x80, v4, vm0, $0xb8;
	[tilespmem:$0x8100] =	vst v63  }
0x23: {  	_ = 	snop  }
0x24: {  	[tilespmem:s18], [sflag:$0x1] =	stream.indirect_vreg.gather [hbm4b:s3+s2], $0x80, v3, vm0, $0xb8;
	[tilespmem:$0x8100] =	vst v63  }
0x25: {  	_ = 	snop  }
0x26: {  	[tilespmem:s19], [sflag:$0x1] =	stream.indirect_vreg.gather [hbm4b:s5+s2], $0x80, v3, vm0, $0xb8;
	[tilespmem:$0x8100] =	vst v63  }
0x27: {  	_ = 	snop  }
0x28: {  	[tilespmem:s20], [sflag:$0x1] =	stream.indirect_vreg.gather [hbm4b:s6+s2], $0x80, v3, vm0, $0xb8;
	[tilespmem:$0x8100] =	vst v63  }
0x29: {  	_ = 	snop  }
0x2a: {  	[tilespmem:s21], [sflag:$0x1] =	stream.indirect_vreg.gather [hbm4b:s7+s2], $0x80, v3, vm0, $0xb8;
	[tilespmem:$0x8100] =	vst v63  }
0x2b: {  	v3 =	vld [tilespmem:$0x10];
	_ =	sdelay $0x4  }
0x2c: {  	v57 =	vshll.u32 v3, $0x3  }
0x2d: {  	v3 =	vand.u32 $0x7, v3;
	v4 =	vand.u32 $0xFFFFFFC0, v57  }
0x2e: {  	v3 =	vor.u32 v3, v4  }
0x2f: {  	v4 =	vperm.xlane v3, v0;
	_ =	sdelay $0x1  }
0x30: {  	v4 =	vadd.s32 v1, v4;
	_ =	sdelay $0x4  }
0x31: {  	[tilespmem:s22], [sflag:$0x1] =	stream.indirect_vreg.gather [hbm4b:s3+s2], $0x80, v4, vm0, $0xb8;
	[tilespmem:$0x8100] =	vst v63  }
0x32: {  	v3 =	vperm.xlane v3, v2  }
0x33: {  	[tilespmem:s23], [sflag:$0x1] =	stream.indirect_vreg.gather [hbm4b:s5+s2], $0x80, v4, vm0, $0xb8;
	[tilespmem:$0x8100] =	vst v63  }
0x34: {  	v3 =	vadd.s32 v1, v3  }
0x35: {  	[tilespmem:s24], [sflag:$0x1] =	stream.indirect_vreg.gather [hbm4b:s6+s2], $0x80, v4, vm0, $0xb8;
	[tilespmem:$0x8100] =	vst v63  }
0x36: {  	_ = 	snop  }
0x37: {  	[tilespmem:s25], [sflag:$0x1] =	stream.indirect_vreg.gather [hbm4b:s7+s2], $0x80, v4, vm0, $0xb8;
	[tilespmem:$0x8100] =	vst v63  }
0x38: {  	_ = 	snop  }
0x39: {  	[tilespmem:s26], [sflag:$0x1] =	stream.indirect_vreg.gather [hbm4b:s3+s2], $0x80, v3, vm0, $0xb8;
	[tilespmem:$0x8100] =	vst v63  }
0x3a: {  	_ = 	snop  }
0x3b: {  	[tilespmem:s28], [sflag:$0x1] =	stream.indirect_vreg.gather [hbm4b:s5+s2], $0x80, v3, vm0, $0xb8;
	[tilespmem:$0x8100] =	vst v63  }
0x3c: {  	_ = 	snop  }
0x3d: {  	[tilespmem:s29], [sflag:$0x1] =	stream.indirect_vreg.gather [hbm4b:s6+s2], $0x80, v3, vm0, $0xb8;
	[tilespmem:$0x8100] =	vst v63  }
0x3e: {  	_ = 	snop  }
0x3f: {  	[tilespmem:s30], [sflag:$0x1] =	stream.indirect_vreg.gather [hbm4b:s7+s2], $0x80, v3, vm0, $0xb8;
	[tilespmem:$0x8100] =	vst v63  }
0x40: {  	_ =	swait.ge [sflag:s31], $0x8000  }
0x41: {  	[sflag:s31] =	ssyncset.done $0x0  }
0x42: {  	[sflag:s31] =	ssyncadd.s32 $0xFFFF8000  }
0x43: {  	[hbm4b:s8+s2] =	stream.linear.scatter [tilespmem:s14], [sflag:$0x2], $0x8000, $0x38;
	[tilespmem:$0x8100] =	vst v63  }
0x44: {  	_ =	swait.ge [sflag:s13], $0x8000  }
0x45: {  	[sflag:s13] =	ssyncset.done $0x0  }
0x46: {  	[sflag:s13] =	ssyncadd.s32 $0xFFFF8000  }
0x47: {  	v3 =	vld [tilespmem:$0x20];
	_ =	sdelay $0x4  }
0x48: {  	v58 =	vshll.u32 v3, $0x3  }
0x49: {  	v3 =	vand.u32 $0x7, v3;
	v4 =	vand.u32 $0xFFFFFFC0, v58  }
0x4a: {  	v3 =	vor.u32 v3, v4  }
0x4b: {  	v4 =	vperm.xlane v3, v0;
	_ =	sdelay $0x1  }
0x4c: {  	v4 =	vadd.s32 v1, v4;
	_ =	sdelay $0x4  }
0x4d: {  	[tilespmem:s14], [sflag:$0x1] =	stream.indirect_vreg.gather [hbm4b:s3+s2], $0x80, v4, vm0, $0xb8;
	[tilespmem:$0x8100] =	vst v63  }
0x4e: {  	v3 =	vperm.xlane v3, v2  }
0x4f: {  	[tilespmem:s15], [sflag:$0x1] =	stream.indirect_vreg.gather [hbm4b:s5+s2], $0x80, v4, vm0, $0xb8;
	[tilespmem:$0x8100] =	vst v63  }
0x50: {  	v3 =	vadd.s32 v1, v3  }
0x51: {  	[tilespmem:s16], [sflag:$0x1] =	stream.indirect_vreg.gather [hbm4b:s6+s2], $0x80, v4, vm0, $0xb8;
	[tilespmem:$0x8100] =	vst v63  }
0x52: {  	_ = 	snop  }
0x53: {  	[tilespmem:s17], [sflag:$0x1] =	stream.indirect_vreg.gather [hbm4b:s7+s2], $0x80, v4, vm0, $0xb8;
	[tilespmem:$0x8100] =	vst v63  }
0x54: {  	_ = 	snop  }
0x55: {  	[tilespmem:s18], [sflag:$0x1] =	stream.indirect_vreg.gather [hbm4b:s3+s2], $0x80, v3, vm0, $0xb8;
	[tilespmem:$0x8100] =	vst v63  }
0x56: {  	_ = 	snop  }
0x57: {  	[tilespmem:s19], [sflag:$0x1] =	stream.indirect_vreg.gather [hbm4b:s5+s2], $0x80, v3, vm0, $0xb8;
	[tilespmem:$0x8100] =	vst v63  }
0x58: {  	_ = 	snop  }
0x59: {  	[tilespmem:s20], [sflag:$0x1] =	stream.indirect_vreg.gather [hbm4b:s6+s2], $0x80, v3, vm0, $0xb8;
	[tilespmem:$0x8100] =	vst v63  }
0x5a: {  	_ = 	snop  }
0x5b: {  	[tilespmem:s21], [sflag:$0x1] =	stream.indirect_vreg.gather [hbm4b:s7+s2], $0x80, v3, vm0, $0xb8;
	[tilespmem:$0x8100] =	vst v63  }
0x5c: {  	v3 =	vld [tilespmem:$0x30];
	_ =	sdelay $0x4  }
0x5d: {  	v59 =	vshll.u32 v3, $0x3  }
0x5e: {  	v3 =	vand.u32 $0x7, v3;
	v4 =	vand.u32 $0xFFFFFFC0, v59  }
0x5f: {  	v3 =	vor.u32 v3, v4  }
0x60: {  	v4 =	vperm.xlane v3, v0;
	_ =	sdelay $0x1  }
0x61: {  	v4 =	vadd.s32 v1, v4;
	_ =	sdelay $0x4  }
0x62: {  	[tilespmem:s22], [sflag:$0x1] =	stream.indirect_vreg.gather [hbm4b:s3+s2], $0x80, v4, vm0, $0xb8;
	[tilespmem:$0x8100] =	vst v63  }
0x63: {  	v3 =	vperm.xlane v3, v2  }
0x64: {  	[tilespmem:s23], [sflag:$0x1] =	stream.indirect_vreg.gather [hbm4b:s5+s2], $0x80, v4, vm0, $0xb8;
	[tilespmem:$0x8100] =	vst v63  }
0x65: {  	v3 =	vadd.s32 v1, v3  }
0x66: {  	[tilespmem:s24], [sflag:$0x1] =	stream.indirect_vreg.gather [hbm4b:s6+s2], $0x80, v4, vm0, $0xb8;
	[tilespmem:$0x8100] =	vst v63  }
0x67: {  	_ = 	snop  }
0x68: {  	[tilespmem:s25], [sflag:$0x1] =	stream.indirect_vreg.gather [hbm4b:s7+s2], $0x80, v4, vm0, $0xb8;
	[tilespmem:$0x8100] =	vst v63  }
0x69: {  	_ = 	snop  }
0x6a: {  	[tilespmem:s26], [sflag:$0x1] =	stream.indirect_vreg.gather [hbm4b:s3+s2], $0x80, v3, vm0, $0xb8;
	[tilespmem:$0x8100] =	vst v63  }
0x6b: {  	_ = 	snop  }
0x6c: {  	[tilespmem:s28], [sflag:$0x1] =	stream.indirect_vreg.gather [hbm4b:s5+s2], $0x80, v3, vm0, $0xb8;
	[tilespmem:$0x8100] =	vst v63  }
0x6d: {  	_ = 	snop  }
0x6e: {  	[tilespmem:s29], [sflag:$0x1] =	stream.indirect_vreg.gather [hbm4b:s6+s2], $0x80, v3, vm0, $0xb8;
	[tilespmem:$0x8100] =	vst v63  }
0x6f: {  	_ = 	snop  }
0x70: {  	[tilespmem:s30], [sflag:$0x1] =	stream.indirect_vreg.gather [hbm4b:s7+s2], $0x80, v3, vm0, $0xb8;
	[tilespmem:$0x8100] =	vst v63  }
0x71: {  	_ =	swait.ge [sflag:s31], $0x8000  }
0x72: {  	[sflag:s31] =	ssyncset.done $0x0  }
0x73: {  	[sflag:s31] =	ssyncadd.s32 $0xFFFF8000  }
0x74: {  	[hbm4b:s9+s2] =	stream.linear.scatter [tilespmem:s14], [sflag:$0x2], $0x8000, $0x38;
	[tilespmem:$0x8100] =	vst v63  }
0x75: {  	_ =	swait.ge [sflag:s13], $0x8000  }
0x76: {  	[sflag:s13] =	ssyncset.done $0x0  }
0x77: {  	[sflag:s13] =	ssyncadd.s32 $0xFFFF8000  }
0x78: {  	v3 =	vld [tilespmem:$0x80];
	_ =	sdelay $0x4  }
0x79: {  	v60 =	vshll.u32 v3, $0x3  }
0x7a: {  	v3 =	vand.u32 $0x7, v3;
	v4 =	vand.u32 $0xFFFFFFC0, v60  }
0x7b: {  	v3 =	vor.u32 v3, v4  }
0x7c: {  	v4 =	vperm.xlane v3, v0;
	_ =	sdelay $0x1  }
0x7d: {  	v4 =	vadd.s32 v1, v4;
	_ =	sdelay $0x4  }
0x7e: {  	[tilespmem:s14], [sflag:$0x1] =	stream.indirect_vreg.gather [hbm4b:s3+s2], $0x80, v4, vm0, $0xb8;
	[tilespmem:$0x8100] =	vst v63  }
0x7f: {  	v3 =	vperm.xlane v3, v2  }
0x80: {  	[tilespmem:s15], [sflag:$0x1] =	stream.indirect_vreg.gather [hbm4b:s5+s2], $0x80, v4, vm0, $0xb8;
	[tilespmem:$0x8100] =	vst v63  }
0x81: {  	v3 =	vadd.s32 v1, v3  }
0x82: {  	[tilespmem:s16], [sflag:$0x1] =	stream.indirect_vreg.gather [hbm4b:s6+s2], $0x80, v4, vm0, $0xb8;
	[tilespmem:$0x8100] =	vst v63  }
0x83: {  	_ = 	snop  }
0x84: {  	[tilespmem:s17], [sflag:$0x1] =	stream.indirect_vreg.gather [hbm4b:s7+s2], $0x80, v4, vm0, $0xb8;
	[tilespmem:$0x8100] =	vst v63  }
0x85: {  	_ = 	snop  }
0x86: {  	[tilespmem:s18], [sflag:$0x1] =	stream.indirect_vreg.gather [hbm4b:s3+s2], $0x80, v3, vm0, $0xb8;
	[tilespmem:$0x8100] =	vst v63  }
0x87: {  	_ = 	snop  }
0x88: {  	[tilespmem:s19], [sflag:$0x1] =	stream.indirect_vreg.gather [hbm4b:s5+s2], $0x80, v3, vm0, $0xb8;
	[tilespmem:$0x8100] =	vst v63  }
0x89: {  	_ = 	snop  }
0x8a: {  	[tilespmem:s20], [sflag:$0x1] =	stream.indirect_vreg.gather [hbm4b:s6+s2], $0x80, v3, vm0, $0xb8;
	[tilespmem:$0x8100] =	vst v63  }
0x8b: {  	_ = 	snop  }
0x8c: {  	[tilespmem:s21], [sflag:$0x1] =	stream.indirect_vreg.gather [hbm4b:s7+s2], $0x80, v3, vm0, $0xb8;
	[tilespmem:$0x8100] =	vst v63  }
0x8d: {  	v3 =	vld [tilespmem:$0x90];
	_ =	sdelay $0x4  }
0x8e: {  	v61 =	vshll.u32 v3, $0x3  }
0x8f: {  	v3 =	vand.u32 $0x7, v3;
	v4 =	vand.u32 $0xFFFFFFC0, v61  }
0x90: {  	v3 =	vor.u32 v3, v4  }
0x91: {  	v4 =	vperm.xlane v3, v0;
	_ =	sdelay $0x1  }
0x92: {  	v4 =	vadd.s32 v1, v4;
	_ =	sdelay $0x4  }
0x93: {  	[tilespmem:s22], [sflag:$0x1] =	stream.indirect_vreg.gather [hbm4b:s3+s2], $0x80, v4, vm0, $0xb8;
	[tilespmem:$0x8100] =	vst v63  }
0x94: {  	v3 =	vperm.xlane v3, v2  }
0x95: {  	[tilespmem:s23], [sflag:$0x1] =	stream.indirect_vreg.gather [hbm4b:s5+s2], $0x80, v4, vm0, $0xb8;
	[tilespmem:$0x8100] =	vst v63  }
0x96: {  	v3 =	vadd.s32 v1, v3  }
0x97: {  	[tilespmem:s24], [sflag:$0x1] =	stream.indirect_vreg.gather [hbm4b:s6+s2], $0x80, v4, vm0, $0xb8;
	[tilespmem:$0x8100] =	vst v63  }
0x98: {  	_ = 	snop  }
0x99: {  	[tilespmem:s25], [sflag:$0x1] =	stream.indirect_vreg.gather [hbm4b:s7+s2], $0x80, v4, vm0, $0xb8;
	[tilespmem:$0x8100] =	vst v63  }
0x9a: {  	_ = 	snop  }
0x9b: {  	[tilespmem:s26], [sflag:$0x1] =	stream.indirect_vreg.gather [hbm4b:s3+s2], $0x80, v3, vm0, $0xb8;
	[tilespmem:$0x8100] =	vst v63  }
0x9c: {  	_ = 	snop  }
0x9d: {  	[tilespmem:s28], [sflag:$0x1] =	stream.indirect_vreg.gather [hbm4b:s5+s2], $0x80, v3, vm0, $0xb8;
	[tilespmem:$0x8100] =	vst v63  }
0x9e: {  	_ = 	snop  }
0x9f: {  	[tilespmem:s29], [sflag:$0x1] =	stream.indirect_vreg.gather [hbm4b:s6+s2], $0x80, v3, vm0, $0xb8;
	[tilespmem:$0x8100] =	vst v63  }
0xa0: {  	_ = 	snop  }
0xa1: {  	[tilespmem:s30], [sflag:$0x1] =	stream.indirect_vreg.gather [hbm4b:s7+s2], $0x80, v3, vm0, $0xb8;
	[tilespmem:$0x8100] =	vst v63  }
0xa2: {  	_ =	swait.ge [sflag:s31], $0x8000  }
0xa3: {  	[sflag:s31] =	ssyncset.done $0x0  }
0xa4: {  	[sflag:s31] =	ssyncadd.s32 $0xFFFF8000  }
0xa5: {  	[hbm4b:s10+s2] =	stream.linear.scatter [tilespmem:s14], [sflag:$0x2], $0x8000, $0x38;
	[tilespmem:$0x8100] =	vst v63  }
0xa6: {  	_ =	swait.ge [sflag:s13], $0x8000  }
0xa7: {  	[sflag:s13] =	ssyncset.done $0x0  }
0xa8: {  	[sflag:s13] =	ssyncadd.s32 $0xFFFF8000  }
0xa9: {  	v3 =	vld [tilespmem:$0xA0];
	_ =	sdelay $0x4  }
0xaa: {  	v62 =	vshll.u32 v3, $0x3  }
0xab: {  	v3 =	vand.u32 $0x7, v3;
	v4 =	vand.u32 $0xFFFFFFC0, v62  }
0xac: {  	v3 =	vor.u32 v3, v4  }
0xad: {  	v4 =	vperm.xlane v3, v0;
	_ =	sdelay $0x1  }
0xae: {  	v4 =	vadd.s32 v1, v4;
	_ =	sdelay $0x4  }
0xaf: {  	[tilespmem:s14], [sflag:$0x1] =	stream.indirect_vreg.gather [hbm4b:s3+s2], $0x80, v4, vm0, $0xb8;
	[tilespmem:$0x8100] =	vst v63  }
0xb0: {  	v3 =	vperm.xlane v3, v2  }
0xb1: {  	[tilespmem:s15], [sflag:$0x1] =	stream.indirect_vreg.gather [hbm4b:s5+s2], $0x80, v4, vm0, $0xb8;
	[tilespmem:$0x8100] =	vst v63  }
0xb2: {  	v3 =	vadd.s32 v1, v3  }
0xb3: {  	[tilespmem:s16], [sflag:$0x1] =	stream.indirect_vreg.gather [hbm4b:s6+s2], $0x80, v4, vm0, $0xb8;
	[tilespmem:$0x8100] =	vst v63  }
0xb4: {  	_ = 	snop  }
0xb5: {  	[tilespmem:s17], [sflag:$0x1] =	stream.indirect_vreg.gather [hbm4b:s7+s2], $0x80, v4, vm0, $0xb8;
	[tilespmem:$0x8100] =	vst v63  }
0xb6: {  	_ = 	snop  }
0xb7: {  	[tilespmem:s18], [sflag:$0x1] =	stream.indirect_vreg.gather [hbm4b:s3+s2], $0x80, v3, vm0, $0xb8;
	[tilespmem:$0x8100] =	vst v63  }
0xb8: {  	_ = 	snop  }
0xb9: {  	[tilespmem:s19], [sflag:$0x1] =	stream.indirect_vreg.gather [hbm4b:s5+s2], $0x80, v3, vm0, $0xb8;
	[tilespmem:$0x8100] =	vst v63  }
0xba: {  	_ = 	snop  }
0xbb: {  	[tilespmem:s20], [sflag:$0x1] =	stream.indirect_vreg.gather [hbm4b:s6+s2], $0x80, v3, vm0, $0xb8;
	[tilespmem:$0x8100] =	vst v63  }
0xbc: {  	_ = 	snop  }
0xbd: {  	[tilespmem:s21], [sflag:$0x1] =	stream.indirect_vreg.gather [hbm4b:s7+s2], $0x80, v3, vm0, $0xb8;
	[tilespmem:$0x8100] =	vst v63  }
0xbe: {  	v3 =	vld [tilespmem:$0xB0];
	_ =	sdelay $0x4  }
0xbf: {  	v63 =	vshll.u32 v3, $0x3  }
0xc0: {  	v3 =	vand.u32 $0x7, v3;
	v4 =	vand.u32 $0xFFFFFFC0, v63  }
0xc1: {  	v3 =	vor.u32 v3, v4  }
0xc2: {  	v4 =	vperm.xlane v3, v0;
	_ =	sdelay $0x1  }
0xc3: {  	v4 =	vadd.s32 v1, v4;
	_ =	sdelay $0x4  }
0xc4: {  	[tilespmem:s22], [sflag:$0x1] =	stream.indirect_vreg.gather [hbm4b:s3+s2], $0x80, v4, vm0, $0xb8;
	[tilespmem:$0x8100] =	vst v63  }
0xc5: {  	v3 =	vperm.xlane v3, v2  }
0xc6: {  	[tilespmem:s23], [sflag:$0x1] =	stream.indirect_vreg.gather [hbm4b:s5+s2], $0x80, v4, vm0, $0xb8;
	[tilespmem:$0x8100] =	vst v63  }
0xc7: {  	v3 =	vadd.s32 v1, v3  }
0xc8: {  	[tilespmem:s24], [sflag:$0x1] =	stream.indirect_vreg.gather [hbm4b:s6+s2], $0x80, v4, vm0, $0xb8;
	[tilespmem:$0x8100] =	vst v63  }
0xc9: {  	_ = 	snop  }
0xca: {  	[tilespmem:s25], [sflag:$0x1] =	stream.indirect_vreg.gather [hbm4b:s7+s2], $0x80, v4, vm0, $0xb8;
	[tilespmem:$0x8100] =	vst v63  }
0xcb: {  	_ = 	snop  }
0xcc: {  	[tilespmem:s26], [sflag:$0x1] =	stream.indirect_vreg.gather [hbm4b:s3+s2], $0x80, v3, vm0, $0xb8;
	[tilespmem:$0x8100] =	vst v63  }
0xcd: {  	_ = 	snop  }
0xce: {  	[tilespmem:s28], [sflag:$0x1] =	stream.indirect_vreg.gather [hbm4b:s5+s2], $0x80, v3, vm0, $0xb8;
	[tilespmem:$0x8100] =	vst v63  }
0xcf: {  	_ = 	snop  }
0xd0: {  	[tilespmem:s29], [sflag:$0x1] =	stream.indirect_vreg.gather [hbm4b:s6+s2], $0x80, v3, vm0, $0xb8;
	[tilespmem:$0x8100] =	vst v63  }
0xd1: {  	_ = 	snop  }
0xd2: {  	[tilespmem:s30], [sflag:$0x1] =	stream.indirect_vreg.gather [hbm4b:s7+s2], $0x80, v3, vm0, $0xb8;
	[tilespmem:$0x8100] =	vst v63  }
0xd3: {  	_ =	swait.ge [sflag:s31], $0x8000  }
0xd4: {  	p0 =	sne.s32 s12, $0x1;
	[sflag:s31] =	ssyncset.done $0x0  }
.Ltmp0:
0xd5: {  	[sflag:s31] =	ssyncadd.s32 $0xFFFF8000;
	(pc) =	sbr.rel @p0 .LBB2_1-.Ltmp0, $4  }
0xd6: {  	[hbm4b:s11+s2] =	stream.linear.scatter [tilespmem:s14], [sflag:$0x2], $0x8000, $0x38;
	[tilespmem:$0x8100] =	vst v63  }
0xd7: {  	_ =	swait.ge [sflag:s13], $0x8000  }
0xd8: {  	[sflag:s13] =	ssyncset.done $0x0  }
0xd9: {  	s12 =	sadd.s32 $0xFFFFFFFF, s12;
	[sflag:s13] =	ssyncadd.s32 $0xFFFF8000  }
0xda: {  	_ =	sfence.sel $0x180000  }
0xdb: {  	[bflag:$0x0] =	sbarrier.arrive $0xFFFF  }
0xdc: {  	p0 =	sne.s32 s1, $0x0;
	_ =	strace $0x9000004A  }
0xdd: {  	s0 =	sadd.s32 @!p0 $0x100000, s0;
	[bflag:$0x2] =	sbarrier.arrive $0xFFFF  }
0xde: {  	[sflag:s0] =	ssyncadd.tile.s32 @!p0 $0x1;
	_ =	shalt  }
.Lfunc_end2:
_tile_overlayer_lowered:
.L_overlay_start_2:
0xdf: {  	(tag) =	ssettag $0x2  }
0xe0: {  	s0 =	rddreg [dreg:$0x0];
	s2 =	stileid.u32  }
0xe1: {  	s1 =	rddreg [dreg:$0x1];
	p0 =	sne.s32 s2, $0x0  }
0xe2: {  	s3 =	rddreg [dreg:$0x2];
	[bflag:$0x3] =	sbarrier.arrive $0xFFFF;
	s2 =	simm.s32 @!p0 $0x1C02  }
0xe3: {  	[timem:s3], [sflag:s2] =	dma.local @!p0 [hbm:s0], s1  }
0xe4: {  	s0 =	simm.s32 @!p0 $0x2  }
0xe5: {  	_ =	swait.ge @!p0 [sflag:s0], s1  }
0xe6: {  	s1 =	ssub.s32 @!p0 $0x0, s1;
	[sflag:s0] =	ssyncset.done @!p0 $0x0  }
0xe7: {  	[sflag:s0] =	ssyncadd.s32 @!p0 s1  }
0xe8: {  	[bflag:$0x3] =	sbarrier.arrive $0xFFFF  }
0xe9: {  	_ =	shalt  }

// kernel: kernel.8.cloned.1.call-start
scs
__scs_entry_jumppad:
0x0: {  	(pc) =	sbr.rel $0x88, $3  }
0x1: {  	(tag) =	ssettag $0x0;
	lr =	simm.s32 $0x1  }
0x2: {  	[smem:$0x3F96] =	sst lr;
	_ =	strace $0xD0000000  }
0x3: {  	_ = 	snop  }
0x4: {  	_ = 	snop  }
0x5: {  	_ = 	snop  }
0x6: {  	_ = 	snop  }
0x7: {  	_ = 	snop  }
__scs_overlays_trampoline_lowered:
0x8: {  	[smem:$0x3FA5] =	sst s0  }
0x9: {  	[smem:$0x3FA6] =	sst s1  }
0xa: {  	[smem:$0x3FA7] =	sst s2  }
0xb: {  	[smem:$0x3FA8] =	sst s3  }
0xc: {  	[smem:$0x3FA9] =	sst s4  }
0xd: {  	[smem:$0x3FAA] =	sst s5  }
0xe: {  	[smem:$0x3FAB] =	sst s6  }
0xf: {  	[smem:$0x3FAC] =	sst s7  }
0x10: {  	[smem:$0x3FAD] =	sst s8  }
0x11: {  	[smem:$0x3FAE] =	sst s9;
	s0 =	simm.s32 @!p0 $0x0  }
0x12: {  	s1 =	sld [smem:$0x3F94];
	s0 =	simm.s32 @p0 $0x1  }
0x13: {  	[smem:$0x3FAF] =	sst s0;
	s0 =	simm.s32 @!p1 $0x0  }
0x14: {  	s2 =	sld [smem:$0x3F93];
	s0 =	simm.s32 @p1 $0x1  }
0x15: {  	[smem:$0x3FB0] =	sst s0;
	s0 =	simm.s32 @!p2 $0x0  }
0x16: {  	s3 =	sld [smem:$0x3FDB];
	s0 =	simm.s32 @p2 $0x1  }
0x17: {  	s4 =	simm.s32 $0x1BF5;
	[smem:$0x3FB2] =	sst s0  }
0x18: {  	s0 =	sld [smem:$0x3F95];
	_ =	swait.ge [sflag:s4], $0x0  }
0x19: {  	s7 =	sld [smem:$0x3F96]  }
0x1a: {  	s8 =	sadd.s32 $0xFFFFE003, lr  }
0x1b: {  	s9 =	sadd.s32 $0xFFFFFEF7, lr;
	s5 =	simm.s32 $0xFFFFFFFF;
	p2 =	slt.u32 s8, $0xFFFFF086  }
0x1c: {  	p1 =	slt.u32 s9, $0xF7A;
	s5 =	simm.s32 @!p2 $0x0  }
0x1d: {  	s5 =	simm.s32 @p1 $0x1;
	p0 =	seq.s32 s7, s2  }
0x1e: {  	s7 =	smul.u32 @!p0 $0xF7A, s2;
	p2 =	seq.s32 @!p0 s5, $0x0  }
0x1f: {  	s9 =	smul.u32 $0xF7A, s1;
	s8 =	simm.s32 @!p0 $0x1BF5;
	p2 =	por !p2, p0  }
0x20: {  	[sflag:s8] =	ssyncset.s32 @!p0 $0xFFFFF086;
	s6 =	sadd.s32 @!p0 s3, s7;
	s7 =	simm.s32 @!p0 $0x108  }
0x21: {  	s3 =	sadd.s32 s3, s9;
	s6 =	sadd.s32 @!p0 $0x88, s6;
	s7 =	simm.s32 @p2 $0x1082  }
0x22: {  	[simem:s7], [sflag:s8] =	dma.local @!p0 [hbm:s6], $0xF7A  }
0x23: {  	s9 =	sor.u32 $0xD0000000, s2;
	s6 =	simm.s32 $0x108;
	_ =	swait.ge @!p0 [sflag:s8], $0x0  }
0x24: {  	s3 =	sadd.s32 $0x88, s3;
	s6 =	simm.s32 @!p1 $0x1082;
	[sflag:s4] =	ssyncset.s32 $0xFFFFF086  }
0x25: {  	[simem:s6], [sflag:s4] =	dma.local [hbm:s3], $0xF7A  }
0x26: {  	[smem:$0x3F96] =	sst s1;
	(tag) =	ssettag s2;
	_ =	strace s9  }
0x27: {  	s1 =	sld [smem:$0x3FA6]  }
0x28: {  	s2 =	sld [smem:$0x3FA7]  }
0x29: {  	s4 =	sld [smem:$0x3FA9]  }
0x2a: {  	p0 =	seq.s32 s5, $0x0;
	s5 =	sld [smem:$0x3FAA]  }
0x2b: {  	s6 =	sld [smem:$0x3FAB]  }
0x2c: {  	s7 =	sld [smem:$0x3FAC]  }
0x2d: {  	s3 =	simm.s32 $0x108;
	s8 =	sld [smem:$0x3FAD]  }
0x2e: {  	s3 =	simm.s32 @!p0 $0x1082;
	s9 =	sld [smem:$0x3FAE]  }
0x2f: {  	lr =	sadd.s32 s0, s3;
	s0 =	sld [smem:$0x3FA5]  }
0x30: {  	s3 =	sld [smem:$0x3FA8]  }
0x31: {  	[smem:$0x3FB1] =	sst s10  }
0x32: {  	s10 =	sld [smem:$0x3FAF];
	_ =	sdelay $0x3  }
0x33: {  	p0 =	seq.s32 s10, $0x1;
	s10 =	sld [smem:$0x3FB1];
	_ =	sdelay $0x3  }
0x34: {  	[smem:$0x3FB1] =	sst s10  }
0x35: {  	s10 =	sld [smem:$0x3FB0];
	_ =	sdelay $0x3  }
0x36: {  	p1 =	seq.s32 s10, $0x1;
	s10 =	sld [smem:$0x3FB1];
	_ =	sdelay $0x3  }
0x37: {  	[smem:$0x3FB1] =	sst s10  }
0x38: {  	s10 =	sld [smem:$0x3FB2]  }
0x39: {  	_ = 	snop;
	(pc) =	sbr.ind lr, $3  }
0x3a: {  	_ = 	snop  }
0x3b: {  	_ = 	snop  }
0x3c: {  	p2 =	seq.s32 s10, $0x1;
	s10 =	sld [smem:$0x3FB1]  }
0x3d: {  	_ =	shalt  }
0x3e: {  	_ =	shalt  }
0x3f: {  	_ =	shalt  }
0x40: {  	_ =	shalt  }
0x41: {  	_ =	shalt  }
0x42: {  	_ =	shalt  }
0x43: {  	_ =	shalt  }
0x44: {  	_ =	shalt  }
0x45: {  	_ =	shalt  }
0x46: {  	_ =	shalt  }
0x47: {  	_ =	shalt  }
0x48: {  	_ =	shalt  }
0x49: {  	_ =	shalt  }
0x4a: {  	_ =	shalt  }
0x4b: {  	_ =	shalt  }
0x4c: {  	_ =	shalt  }
0x4d: {  	_ =	shalt  }
0x4e: {  	_ =	shalt  }
0x4f: {  	_ =	shalt  }
0x50: {  	_ =	shalt  }
0x51: {  	_ =	shalt  }
0x52: {  	_ =	shalt  }
0x53: {  	_ =	shalt  }
0x54: {  	_ =	shalt  }
0x55: {  	_ =	shalt  }
0x56: {  	_ =	shalt  }
0x57: {  	_ =	shalt  }
0x58: {  	_ =	shalt  }
0x59: {  	_ =	shalt  }
0x5a: {  	_ =	shalt  }
0x5b: {  	_ =	shalt  }
0x5c: {  	_ =	shalt  }
0x5d: {  	_ =	shalt  }
0x5e: {  	_ =	shalt  }
0x5f: {  	_ =	shalt  }
0x60: {  	_ =	shalt  }
0x61: {  	_ =	shalt  }
0x62: {  	_ =	shalt  }
0x63: {  	_ =	shalt  }
0x64: {  	_ =	shalt  }
0x65: {  	_ =	shalt  }
0x66: {  	_ =	shalt  }
0x67: {  	_ =	shalt  }
0x68: {  	_ =	shalt  }
0x69: {  	_ =	shalt  }
0x6a: {  	_ =	shalt  }
0x6b: {  	_ =	shalt  }
0x6c: {  	_ =	shalt  }
0x6d: {  	_ =	shalt  }
0x6e: {  	_ =	shalt  }
0x6f: {  	_ =	shalt  }
0x70: {  	_ =	shalt  }
0x71: {  	_ =	shalt  }
0x72: {  	_ =	shalt  }
0x73: {  	_ =	shalt  }
0x74: {  	_ =	shalt  }
0x75: {  	_ =	shalt  }
0x76: {  	_ =	shalt  }
0x77: {  	_ =	shalt  }
0x78: {  	_ =	shalt  }
0x79: {  	_ =	shalt  }
0x7a: {  	_ =	shalt  }
0x7b: {  	_ =	shalt  }
0x7c: {  	_ =	shalt  }
0x7d: {  	_ =	shalt  }
0x7e: {  	_ =	shalt  }
0x7f: {  	_ =	shalt  }
0x80: {  	_ =	shalt  }
0x81: {  	_ =	shalt  }
0x82: {  	_ =	shalt  }
0x83: {  	_ =	shalt  }
0x84: {  	_ =	shalt  }
0x85: {  	_ =	shalt  }
0x86: {  	_ =	shalt  }
0x87: {  	_ =	shalt  }
.Lfunc_end0:
.L_simem_size_0:
called_computation_lowered:
.L_overlay_start_0:
0x88: {  	s2 =	sld [smem:$0x3FD9]  }
0x89: {  	s3 =	sld [smem:$0x3FFE];
	_ =	sdelay $0x1  }
0x8a: {  	s1 =	srdreg.scid  }
0x8b: {  	s0 =	sand.u32 $0x1, s1  }
0x8c: {  	s17 =	sshll.u32 s0, $0xA;
	s2 =	sadd.s32 s3, s2  }
0x8d: {  	s2 =	sadd.s32 s2, s17  }
0x8e: {  	[smem:$0x3FBD] =	sst s2  }
0x8f: {  	_ = 	snop  }
0x90: {  	s2 =	sld [smem:$0x3FC9];
	(tm) =	ssettm $0x1  }
0x91: {  	s18 =	sld [smem:$0x3FFB];
	_ =	sdelay $0x3  }
0x92: {  	_ =	strace s18  }
0x93: {  	s3 =	sld [smem:$0x3FFC];
	_ =	sdelay $0x3  }
0x94: {  	_ =	strace s3  }
0x95: {  	s3 =	sld [smem:$0x3FFD];
	_ =	sdelay $0x3  }
0x96: {  	_ =	strace s3  }
0x97: {  	_ =	strace $0x8FFFFFFF  }
0x98: {  	s19 =	sld [smem:$0x3FDB];
	_ =	sdelay $0x1  }
0x99: {  	s4 =	simm.s32 $_scs_section_size  }
0x9a: {  	s5 =	simm.s32 $_size__tile_overlayer_lowered;
	s6 =	simm.s32 $_tile_overlayer_lowered  }
0x9b: {  	s22 =	simm.s32 $0x1BFF;
	s21 =	sshll.u32 s6, $0x1;
	s3 =	sadd.s32 s4, s19  }
0x9c: {  	s7 =	simm.s32 $0x0;
	s20 =	sshll.u32 s5, $0x1;
	s5 =	sadd.s32 s21, s3  }
0x9d: {  	[timem:s7], [sflag:s22] =	dma.local [hbm:s5], s20  }
0x9e: {  	_ =	swait.ge [sflag:s22], s20  }
0x9f: {  	s4 =	ssub.s32 $0x0, s20;
	[sflag:s22] =	ssyncset.done $0x0  }
0xa0: {  	[sflag:s22] =	ssyncadd.s32 s4;
	_ =	sdelay $0x1  }
0xa1: {  	s23 =	simm.s32 $0x1B8B  }
0xa2: {  	_ =	swait.ge [sflag:s23], $0x1  }
0xa3: {  	[sflag:s23] =	ssyncset.done $0x0  }
0xa4: {  	s25 =	simm.s32 $0x1B8E;
	s24 =	sld [smem:$0x3FFE];
	[sflag:s23] =	ssyncadd.s32 $0xFFFFFFFF  }
0xa5: {  	s26 =	simm.s32 $execute0_lowered;
	[smem:$0x3FD2] =	sst s25  }
0xa6: {  	s5 =	sshll.u32 s26, $0x1;
	_ =	strace $0x80000046;
	[dreg:$0x1] =	wrdreg $0xFFFFFFFF  }
0xa7: {  	s28 =	simm.s32 $_size_execute0_lowered;
	s3 =	sadd.s32 s3, s5;
	[dreg:$0x0] =	wrdreg $0x0  }
0xa8: {  	s5 =	sshll.u32 s28, $0x1;
	[dreg:$0x2] =	wrdreg s3  }
0xa9: {  	[dreg:$0x3] =	wrdreg s5  }
0xaa: {  	[dreg:$0x4] =	wrdreg $0xC0  }
0xab: {  	_ =	task [dreg:s7], $0x5FFFF  }
0xac: {  	[dreg:$0x1] =	wrdreg $0xFFFFFFFF  }
0xad: {  	[dreg:$0x0] =	wrdreg $0x60  }
0xae: {  	[dreg:$0x2] =	wrdreg s2  }
0xaf: {  	[dreg:$0x3] =	wrdreg s24  }
0xb0: {  	[dreg:$0x4] =	wrdreg $0x9  }
0xb1: {  	_ =	task.clear_ibuf [dreg:s7], $0x5FFFF;
	_ =	strace $0x90000046  }
0xb2: {  	s29 =	simm.s32 $0x9;
	_ =	strace $0x80000048  }
0xb3: {  	_ =	swait.ge [sflag:s29], $0x1  }
0xb4: {  	[sflag:s29] =	ssyncadd.s32 $0xFFFFFFFF  }
0xb5: {  	_ =	strace $0x90000048  }
0xb6: {  	_ =	sfence  }
0xb7: {  	s30 =	sld [smem:$0x0];
	_ =	sdelay $0x2  }
0xb8: {  	s31 =	sshll.u32 s1, $0xD;
	s1 =	sshrl.u32 s1, $0x2  }
0xb9: {  	s3 =	sand.u32 $0x4000, s31;
	s1 =	sadd.s32 s1, s30  }
0xba: {  	s0 =	sor.u32 s3, s0;
	s1 =	sshll.u32 s1, $0x11  }
0xbb: {  	s0 =	sor.u32 s1, s0  }
0xbc: {  	s0 =	sadd.s32 $0x8F2B, s0  }
0xbd: {  	[sflag:s0] =	ssyncadd.remote.s32 $0x1  }
0xbe: {  	_ =	sfence.sel $0xFFFF  }
0xbf: {  	[dreg:$0x0] =	wrdreg $0xFFFFFFFF;
	(pc) =	sbr.abs _section_cstart, $3  }
0xc0: {  	[dreg:$0x1] =	wrdreg $0xFFFFFFFF  }
0xc1: {  	_ =	task.clear_ibuf [dreg:s7], $0x2FFFF;
	_ =	strace $0x9FFFFFFF  }
0xc2: {  	(tm) =	ssettm $0x7FFFFFFF  }
0xc3: {  	_ =	shalt  }
tec
execute0_lowered:
.L_overlay_start_1:
0x0: {  	(tag) =	ssettag $0x1  }
0x1: {  	s0 =	rddreg [dreg:$0x0]  }
0x2: {  	s1 =	srdreg.scid;
	s2 =	stileid.u32  }
0x3: {  	s6 =	rddreg [dreg:$0x1];
	s18 =	simm.s32 $0x100;
	s21 =	simm.s32 $0x1100  }
0x4: {  	s22 =	simm.s32 $0x1900;
	s23 =	simm.s32 $0x2100;
	s24 =	simm.s32 $0x2900  }
0x5: {  	s25 =	simm.s32 $0x3100;
	s26 =	simm.s32 $0x3900;
	s28 =	simm.s32 $0x4100  }
0x6: {  	s29 =	simm.s32 $0x4900;
	s30 =	simm.s32 $0x5100;
	s31 =	simm.s32 $0x5900  }
0x7: {  	s10 =	simm.s32 $0x7100;
	s11 =	simm.s32 $0x7900;
	s12 =	simm.s32 $0x8100  }
0x8: {  	s13 =	simm.s32 $0x8900;
	s14 =	simm.s32 $0x9100;
	s15 =	simm.s32 $0x9900  }
0x9: {  	s16 =	simm.s32 $0xA100;
	s17 =	simm.s32 $0xA900;
	s9 =	simm.s32 $0xB100  }
0xa: {  	s19 =	simm.s32 $0xB900;
	s1 =	sand.u32 $0x1, s1;
	s3 =	sshll.u32 s2, $0x1  }
0xb: {  	s8 =	simm.s32 $0xC100;
	s2 =	simm.s32 $0x0;
	s3 =	sor.u32 s1, s3  }
0xc: {  	[smem:$0x7FF] =	sst s2;
	s1 =	ssub.s32 $0x2, s1;
	s4 =	sshll.u32 s3, $0x5  }
0xd: {  	_ =	strace $0x80000047;
	s3 =	sshll.u32 s3, $0xD;
	s5 =	sshrl.u32 s1, $0x1  }
0xe: {  	s4 =	sadd.s32 s4, s6;
	s0 =	sadd.s32 s0, s3;
	s3 =	sadd.s32 $0x1E00, s6  }
0xf: {  	v2 =	vlaneseq.u32;
	s1 =	ssub.s32 s1, s5;
	s5 =	sadd.s32 $0x2000, s6;
	s4 =	sadd.s32 $0x1A00, s4  }
0x10: {  	vm0 =	vmmov $0xffff;
	v1 =	vshrl.u32 v2, $0x3;
	[dreg:$0x4] =	wrdreg s0;
	s7 =	smax.u32 s1, $0x1;
	s1 =	simm.s32 $0x6100  }
0x11: {  	v0 =	vand.u32 $0x7, v2;
	v2 =	vor.u32 $0x8, v2;
	v1 =	vmul.u32 $0x8, v1;
	[dreg:$0x3] =	wrdreg s4;
	s4 =	sadd.s32 $0x1F00, s6;
	s6 =	sadd.s32 $0x2100, s6  }
.LBB2_1:
0x12: {  	s20 =	rddreg [dreg:$0x3];
	s0 =	simm.s32 $0x3  }
0x13: {  	[tilespmem:s2], [sflag:$0x3] =	stream.linear.gather [hbm4b:s20+s2], $0x100, $0x38;
	[tilespmem:$0x10100] =	vst v63  }
0x14: {  	_ =	swait.ge [sflag:s0], $0x100  }
0x15: {  	[sflag:s0] =	ssyncset.done $0x0  }
0x16: {  	s20 =	rddreg [dreg:$0x4];
	[sflag:s0] =	ssyncadd.s32 $0xFFFFFF00  }
0x17: {  	[tilespmem:s18], [sflag:$0x3] =	stream.linear.gather [hbm4b:s20+s2], $0x10000, $0x38;
	[tilespmem:$0x10100] =	vst v63  }
0x18: {  	_ =	swait.ge [sflag:s0], $0x10000  }
0x19: {  	[sflag:s0] =	ssyncset.done $0x0  }
0x1a: {  	[sflag:s0] =	ssyncadd.s32 $0xFFFF0000  }
0x1b: {  	v3 =	vld [tilespmem:$0x0];
	_ =	sdelay $0x4  }
0x1c: {  	v4 =	vshll.u32 v3, $0x3  }
0x1d: {  	v3 =	vand.u32 $0x7, v3;
	v4 =	vand.u32 $0xFFFFFFC0, v4  }
0x1e: {  	v3 =	vor.u32 v3, v4  }
0x1f: {  	v4 =	vperm.xlane v3, v0;
	_ =	sdelay $0x1  }
0x20: {  	v4 =	vadd.s32 v1, v4;
	_ =	sdelay $0x4  }
0x21: {  	[hbm4b:s3+s2] =	stream.indirect_vreg.scatter [tilespmem:s18], [sflag:$0x1], $0x80, v4, vm0, $0xb8;
	[tilespmem:$0x10100] =	vst v63  }
0x22: {  	s20 =	simm.s32 $0x900;
	v3 =	vperm.xlane v3, v2  }
0x23: {  	[hbm4b:s4+s2] =	stream.indirect_vreg.scatter [tilespmem:s20], [sflag:$0x1], $0x80, v4, vm0, $0xb8;
	[tilespmem:$0x10100] =	vst v63  }
0x24: {  	v3 =	vadd.s32 v1, v3  }
0x25: {  	[hbm4b:s5+s2] =	stream.indirect_vreg.scatter [tilespmem:s21], [sflag:$0x1], $0x80, v4, vm0, $0xb8;
	[tilespmem:$0x10100] =	vst v63  }
0x26: {  	_ = 	snop  }
0x27: {  	[hbm4b:s6+s2] =	stream.indirect_vreg.scatter [tilespmem:s22], [sflag:$0x1], $0x80, v4, vm0, $0xb8;
	[tilespmem:$0x10100] =	vst v63  }
0x28: {  	_ = 	snop  }
0x29: {  	[hbm4b:s3+s2] =	stream.indirect_vreg.scatter [tilespmem:s23], [sflag:$0x1], $0x80, v3, vm0, $0xb8;
	[tilespmem:$0x10100] =	vst v63  }
0x2a: {  	_ = 	snop  }
0x2b: {  	[hbm4b:s4+s2] =	stream.indirect_vreg.scatter [tilespmem:s24], [sflag:$0x1], $0x80, v3, vm0, $0xb8;
	[tilespmem:$0x10100] =	vst v63  }
0x2c: {  	_ = 	snop  }
0x2d: {  	[hbm4b:s5+s2] =	stream.indirect_vreg.scatter [tilespmem:s25], [sflag:$0x1], $0x80, v3, vm0, $0xb8;
	[tilespmem:$0x10100] =	vst v63  }
0x2e: {  	_ = 	snop  }
0x2f: {  	[hbm4b:s6+s2] =	stream.indirect_vreg.scatter [tilespmem:s26], [sflag:$0x1], $0x80, v3, vm0, $0xb8;
	[tilespmem:$0x10100] =	vst v63  }
0x30: {  	v3 =	vld [tilespmem:$0x10];
	_ =	sdelay $0x4  }
0x31: {  	v57 =	vshll.u32 v3, $0x3  }
0x32: {  	v3 =	vand.u32 $0x7, v3;
	v4 =	vand.u32 $0xFFFFFFC0, v57  }
0x33: {  	v3 =	vor.u32 v3, v4  }
0x34: {  	v4 =	vperm.xlane v3, v0;
	_ =	sdelay $0x1  }
0x35: {  	v4 =	vadd.s32 v1, v4;
	_ =	sdelay $0x4  }
0x36: {  	[hbm4b:s3+s2] =	stream.indirect_vreg.scatter [tilespmem:s28], [sflag:$0x1], $0x80, v4, vm0, $0xb8;
	[tilespmem:$0x10100] =	vst v63  }
0x37: {  	v3 =	vperm.xlane v3, v2  }
0x38: {  	[hbm4b:s4+s2] =	stream.indirect_vreg.scatter [tilespmem:s29], [sflag:$0x1], $0x80, v4, vm0, $0xb8;
	[tilespmem:$0x10100] =	vst v63  }
0x39: {  	v3 =	vadd.s32 v1, v3  }
0x3a: {  	[hbm4b:s5+s2] =	stream.indirect_vreg.scatter [tilespmem:s30], [sflag:$0x1], $0x80, v4, vm0, $0xb8;
	[tilespmem:$0x10100] =	vst v63  }
0x3b: {  	_ = 	snop  }
0x3c: {  	[hbm4b:s6+s2] =	stream.indirect_vreg.scatter [tilespmem:s31], [sflag:$0x1], $0x80, v4, vm0, $0xb8;
	[tilespmem:$0x10100] =	vst v63  }
0x3d: {  	_ = 	snop  }
0x3e: {  	[hbm4b:s3+s2] =	stream.indirect_vreg.scatter [tilespmem:s1], [sflag:$0x1], $0x80, v3, vm0, $0xb8;
	[tilespmem:$0x10100] =	vst v63  }
0x3f: {  	s0 =	simm.s32 $0x6900  }
0x40: {  	[hbm4b:s4+s2] =	stream.indirect_vreg.scatter [tilespmem:s0], [sflag:$0x1], $0x80, v3, vm0, $0xb8;
	[tilespmem:$0x10100] =	vst v63  }
0x41: {  	_ = 	snop  }
0x42: {  	[hbm4b:s5+s2] =	stream.indirect_vreg.scatter [tilespmem:s10], [sflag:$0x1], $0x80, v3, vm0, $0xb8;
	[tilespmem:$0x10100] =	vst v63  }
0x43: {  	_ = 	snop  }
0x44: {  	[hbm4b:s6+s2] =	stream.indirect_vreg.scatter [tilespmem:s11], [sflag:$0x1], $0x80, v3, vm0, $0xb8;
	[tilespmem:$0x10100] =	vst v63  }
0x45: {  	v3 =	vld [tilespmem:$0x20];
	_ =	sdelay $0x4  }
0x46: {  	v58 =	vshll.u32 v3, $0x3  }
0x47: {  	v3 =	vand.u32 $0x7, v3;
	v4 =	vand.u32 $0xFFFFFFC0, v58  }
0x48: {  	v3 =	vor.u32 v3, v4  }
0x49: {  	v4 =	vperm.xlane v3, v0;
	_ =	sdelay $0x1  }
0x4a: {  	v4 =	vadd.s32 v1, v4;
	_ =	sdelay $0x4  }
0x4b: {  	[hbm4b:s3+s2] =	stream.indirect_vreg.scatter [tilespmem:s12], [sflag:$0x1], $0x80, v4, vm0, $0xb8;
	[tilespmem:$0x10100] =	vst v63  }
0x4c: {  	v3 =	vperm.xlane v3, v2  }
0x4d: {  	[hbm4b:s4+s2] =	stream.indirect_vreg.scatter [tilespmem:s13], [sflag:$0x1], $0x80, v4, vm0, $0xb8;
	[tilespmem:$0x10100] =	vst v63  }
0x4e: {  	v3 =	vadd.s32 v1, v3  }
0x4f: {  	[hbm4b:s5+s2] =	stream.indirect_vreg.scatter [tilespmem:s14], [sflag:$0x1], $0x80, v4, vm0, $0xb8;
	[tilespmem:$0x10100] =	vst v63  }
0x50: {  	_ = 	snop  }
0x51: {  	[hbm4b:s6+s2] =	stream.indirect_vreg.scatter [tilespmem:s15], [sflag:$0x1], $0x80, v4, vm0, $0xb8;
	[tilespmem:$0x10100] =	vst v63  }
0x52: {  	_ = 	snop  }
0x53: {  	[hbm4b:s3+s2] =	stream.indirect_vreg.scatter [tilespmem:s16], [sflag:$0x1], $0x80, v3, vm0, $0xb8;
	[tilespmem:$0x10100] =	vst v63  }
0x54: {  	_ = 	snop  }
0x55: {  	[hbm4b:s4+s2] =	stream.indirect_vreg.scatter [tilespmem:s17], [sflag:$0x1], $0x80, v3, vm0, $0xb8;
	[tilespmem:$0x10100] =	vst v63  }
0x56: {  	_ = 	snop  }
0x57: {  	[hbm4b:s5+s2] =	stream.indirect_vreg.scatter [tilespmem:s9], [sflag:$0x1], $0x80, v3, vm0, $0xb8;
	[tilespmem:$0x10100] =	vst v63  }
0x58: {  	_ = 	snop  }
0x59: {  	[hbm4b:s6+s2] =	stream.indirect_vreg.scatter [tilespmem:s19], [sflag:$0x1], $0x80, v3, vm0, $0xb8;
	[tilespmem:$0x10100] =	vst v63  }
0x5a: {  	v3 =	vld [tilespmem:$0x30];
	_ =	sdelay $0x4  }
0x5b: {  	v59 =	vshll.u32 v3, $0x3  }
0x5c: {  	v3 =	vand.u32 $0x7, v3;
	v4 =	vand.u32 $0xFFFFFFC0, v59  }
0x5d: {  	v3 =	vor.u32 v3, v4  }
0x5e: {  	v4 =	vperm.xlane v3, v0;
	_ =	sdelay $0x1  }
0x5f: {  	v4 =	vadd.s32 v1, v4;
	_ =	sdelay $0x4  }
0x60: {  	[hbm4b:s3+s2] =	stream.indirect_vreg.scatter [tilespmem:s8], [sflag:$0x1], $0x80, v4, vm0, $0xb8;
	[tilespmem:$0x10100] =	vst v63  }
0x61: {  	s0 =	simm.s32 $0xC900;
	v3 =	vperm.xlane v3, v2  }
0x62: {  	[hbm4b:s4+s2] =	stream.indirect_vreg.scatter [tilespmem:s0], [sflag:$0x1], $0x80, v4, vm0, $0xb8;
	[tilespmem:$0x10100] =	vst v63  }
0x63: {  	v3 =	vadd.s32 v1, v3;
	s0 =	simm.s32 $0xD100  }
0x64: {  	[hbm4b:s5+s2] =	stream.indirect_vreg.scatter [tilespmem:s0], [sflag:$0x1], $0x80, v4, vm0, $0xb8;
	[tilespmem:$0x10100] =	vst v63  }
0x65: {  	s0 =	simm.s32 $0xD900  }
0x66: {  	[hbm4b:s6+s2] =	stream.indirect_vreg.scatter [tilespmem:s0], [sflag:$0x1], $0x80, v4, vm0, $0xb8;
	[tilespmem:$0x10100] =	vst v63  }
0x67: {  	s0 =	simm.s32 $0xE100  }
0x68: {  	[hbm4b:s3+s2] =	stream.indirect_vreg.scatter [tilespmem:s0], [sflag:$0x1], $0x80, v3, vm0, $0xb8;
	[tilespmem:$0x10100] =	vst v63  }
0x69: {  	s0 =	simm.s32 $0xE900  }
0x6a: {  	[hbm4b:s4+s2] =	stream.indirect_vreg.scatter [tilespmem:s0], [sflag:$0x1], $0x80, v3, vm0, $0xb8;
	[tilespmem:$0x10100] =	vst v63  }
0x6b: {  	s0 =	simm.s32 $0xF100  }
0x6c: {  	[hbm4b:s5+s2] =	stream.indirect_vreg.scatter [tilespmem:s0], [sflag:$0x1], $0x80, v3, vm0, $0xb8;
	[tilespmem:$0x10100] =	vst v63  }
0x6d: {  	s0 =	simm.s32 $0xF900  }
0x6e: {  	[hbm4b:s6+s2] =	stream.indirect_vreg.scatter [tilespmem:s0], [sflag:$0x1], $0x80, v3, vm0, $0xb8;
	[tilespmem:$0x10100] =	vst v63  }
0x6f: {  	v3 =	vld [tilespmem:$0x80];
	_ =	sdelay $0x4  }
0x70: {  	v60 =	vshll.u32 v3, $0x3  }
0x71: {  	v3 =	vand.u32 $0x7, v3;
	v4 =	vand.u32 $0xFFFFFFC0, v60  }
0x72: {  	v3 =	vor.u32 v3, v4  }
0x73: {  	v4 =	vperm.xlane v3, v0;
	_ =	sdelay $0x1  }
0x74: {  	v4 =	vadd.s32 v1, v4;
	_ =	sdelay $0x4  }
0x75: {  	[hbm4b:s3+s2] =	stream.indirect_vreg.scatter [tilespmem:s18], [sflag:$0x2], $0x80, v4, vm0, $0xb8;
	[tilespmem:$0x10100] =	vst v63  }
0x76: {  	v3 =	vperm.xlane v3, v2  }
0x77: {  	[hbm4b:s4+s2] =	stream.indirect_vreg.scatter [tilespmem:s20], [sflag:$0x2], $0x80, v4, vm0, $0xb8;
	[tilespmem:$0x10100] =	vst v63  }
0x78: {  	v3 =	vadd.s32 v1, v3  }
0x79: {  	[hbm4b:s5+s2] =	stream.indirect_vreg.scatter [tilespmem:s21], [sflag:$0x2], $0x80, v4, vm0, $0xb8;
	[tilespmem:$0x10100] =	vst v63  }
0x7a: {  	_ = 	snop  }
0x7b: {  	[hbm4b:s6+s2] =	stream.indirect_vreg.scatter [tilespmem:s22], [sflag:$0x2], $0x80, v4, vm0, $0xb8;
	[tilespmem:$0x10100] =	vst v63  }
0x7c: {  	_ = 	snop  }
0x7d: {  	[hbm4b:s3+s2] =	stream.indirect_vreg.scatter [tilespmem:s23], [sflag:$0x2], $0x80, v3, vm0, $0xb8;
	[tilespmem:$0x10100] =	vst v63  }
0x7e: {  	_ = 	snop  }
0x7f: {  	[hbm4b:s4+s2] =	stream.indirect_vreg.scatter [tilespmem:s24], [sflag:$0x2], $0x80, v3, vm0, $0xb8;
	[tilespmem:$0x10100] =	vst v63  }
0x80: {  	_ = 	snop  }
0x81: {  	[hbm4b:s5+s2] =	stream.indirect_vreg.scatter [tilespmem:s25], [sflag:$0x2], $0x80, v3, vm0, $0xb8;
	[tilespmem:$0x10100] =	vst v63  }
0x82: {  	_ = 	snop  }
0x83: {  	[hbm4b:s6+s2] =	stream.indirect_vreg.scatter [tilespmem:s26], [sflag:$0x2], $0x80, v3, vm0, $0xb8;
	[tilespmem:$0x10100] =	vst v63  }
0x84: {  	v3 =	vld [tilespmem:$0x90];
	_ =	sdelay $0x4  }
0x85: {  	v61 =	vshll.u32 v3, $0x3  }
0x86: {  	v3 =	vand.u32 $0x7, v3;
	v4 =	vand.u32 $0xFFFFFFC0, v61  }
0x87: {  	v3 =	vor.u32 v3, v4  }
0x88: {  	v4 =	vperm.xlane v3, v0;
	_ =	sdelay $0x1  }
0x89: {  	v4 =	vadd.s32 v1, v4;
	_ =	sdelay $0x4  }
0x8a: {  	[hbm4b:s3+s2] =	stream.indirect_vreg.scatter [tilespmem:s28], [sflag:$0x2], $0x80, v4, vm0, $0xb8;
	[tilespmem:$0x10100] =	vst v63  }
0x8b: {  	v3 =	vperm.xlane v3, v2  }
0x8c: {  	[hbm4b:s4+s2] =	stream.indirect_vreg.scatter [tilespmem:s29], [sflag:$0x2], $0x80, v4, vm0, $0xb8;
	[tilespmem:$0x10100] =	vst v63  }
0x8d: {  	v3 =	vadd.s32 v1, v3  }
0x8e: {  	[hbm4b:s5+s2] =	stream.indirect_vreg.scatter [tilespmem:s30], [sflag:$0x2], $0x80, v4, vm0, $0xb8;
	[tilespmem:$0x10100] =	vst v63  }
0x8f: {  	_ = 	snop  }
0x90: {  	[hbm4b:s6+s2] =	stream.indirect_vreg.scatter [tilespmem:s31], [sflag:$0x2], $0x80, v4, vm0, $0xb8;
	[tilespmem:$0x10100] =	vst v63  }
0x91: {  	_ = 	snop  }
0x92: {  	[hbm4b:s3+s2] =	stream.indirect_vreg.scatter [tilespmem:s1], [sflag:$0x2], $0x80, v3, vm0, $0xb8;
	[tilespmem:$0x10100] =	vst v63  }
0x93: {  	s20 =	simm.s32 $0x6900  }
0x94: {  	[hbm4b:s4+s2] =	stream.indirect_vreg.scatter [tilespmem:s20], [sflag:$0x2], $0x80, v3, vm0, $0xb8;
	[tilespmem:$0x10100] =	vst v63  }
0x95: {  	_ = 	snop  }
0x96: {  	[hbm4b:s5+s2] =	stream.indirect_vreg.scatter [tilespmem:s10], [sflag:$0x2], $0x80, v3, vm0, $0xb8;
	[tilespmem:$0x10100] =	vst v63  }
0x97: {  	_ = 	snop  }
0x98: {  	[hbm4b:s6+s2] =	stream.indirect_vreg.scatter [tilespmem:s11], [sflag:$0x2], $0x80, v3, vm0, $0xb8;
	[tilespmem:$0x10100] =	vst v63  }
0x99: {  	v3 =	vld [tilespmem:$0xA0];
	_ =	sdelay $0x4  }
0x9a: {  	v62 =	vshll.u32 v3, $0x3  }
0x9b: {  	v3 =	vand.u32 $0x7, v3;
	v4 =	vand.u32 $0xFFFFFFC0, v62  }
0x9c: {  	v3 =	vor.u32 v3, v4  }
0x9d: {  	v4 =	vperm.xlane v3, v0;
	_ =	sdelay $0x1  }
0x9e: {  	v4 =	vadd.s32 v1, v4;
	_ =	sdelay $0x4  }
0x9f: {  	[hbm4b:s3+s2] =	stream.indirect_vreg.scatter [tilespmem:s12], [sflag:$0x2], $0x80, v4, vm0, $0xb8;
	[tilespmem:$0x10100] =	vst v63  }
0xa0: {  	v3 =	vperm.xlane v3, v2  }
0xa1: {  	[hbm4b:s4+s2] =	stream.indirect_vreg.scatter [tilespmem:s13], [sflag:$0x2], $0x80, v4, vm0, $0xb8;
	[tilespmem:$0x10100] =	vst v63  }
0xa2: {  	v3 =	vadd.s32 v1, v3  }
0xa3: {  	[hbm4b:s5+s2] =	stream.indirect_vreg.scatter [tilespmem:s14], [sflag:$0x2], $0x80, v4, vm0, $0xb8;
	[tilespmem:$0x10100] =	vst v63  }
0xa4: {  	_ = 	snop  }
0xa5: {  	[hbm4b:s6+s2] =	stream.indirect_vreg.scatter [tilespmem:s15], [sflag:$0x2], $0x80, v4, vm0, $0xb8;
	[tilespmem:$0x10100] =	vst v63  }
0xa6: {  	_ = 	snop  }
0xa7: {  	[hbm4b:s3+s2] =	stream.indirect_vreg.scatter [tilespmem:s16], [sflag:$0x2], $0x80, v3, vm0, $0xb8;
	[tilespmem:$0x10100] =	vst v63  }
0xa8: {  	_ = 	snop  }
0xa9: {  	[hbm4b:s4+s2] =	stream.indirect_vreg.scatter [tilespmem:s17], [sflag:$0x2], $0x80, v3, vm0, $0xb8;
	[tilespmem:$0x10100] =	vst v63  }
0xaa: {  	_ = 	snop  }
0xab: {  	[hbm4b:s5+s2] =	stream.indirect_vreg.scatter [tilespmem:s9], [sflag:$0x2], $0x80, v3, vm0, $0xb8;
	[tilespmem:$0x10100] =	vst v63  }
0xac: {  	_ = 	snop  }
0xad: {  	[hbm4b:s6+s2] =	stream.indirect_vreg.scatter [tilespmem:s19], [sflag:$0x2], $0x80, v3, vm0, $0xb8;
	[tilespmem:$0x10100] =	vst v63  }
0xae: {  	v3 =	vld [tilespmem:$0xB0];
	_ =	sdelay $0x4  }
0xaf: {  	v63 =	vshll.u32 v3, $0x3  }
0xb0: {  	v3 =	vand.u32 $0x7, v3;
	v4 =	vand.u32 $0xFFFFFFC0, v63  }
0xb1: {  	v3 =	vor.u32 v3, v4  }
0xb2: {  	v4 =	vperm.xlane v3, v0;
	_ =	sdelay $0x1  }
0xb3: {  	v4 =	vadd.s32 v1, v4;
	_ =	sdelay $0x4  }
0xb4: {  	[hbm4b:s3+s2] =	stream.indirect_vreg.scatter [tilespmem:s8], [sflag:$0x2], $0x80, v4, vm0, $0xb8;
	[tilespmem:$0x10100] =	vst v63  }
0xb5: {  	s20 =	simm.s32 $0xC900;
	v3 =	vperm.xlane v3, v2  }
0xb6: {  	[hbm4b:s4+s2] =	stream.indirect_vreg.scatter [tilespmem:s20], [sflag:$0x2], $0x80, v4, vm0, $0xb8;
	[tilespmem:$0x10100] =	vst v63  }
0xb7: {  	v3 =	vadd.s32 v1, v3;
	s20 =	simm.s32 $0xD100  }
0xb8: {  	[hbm4b:s5+s2] =	stream.indirect_vreg.scatter [tilespmem:s20], [sflag:$0x2], $0x80, v4, vm0, $0xb8;
	[tilespmem:$0x10100] =	vst v63  }
0xb9: {  	s20 =	simm.s32 $0xD900  }
0xba: {  	[hbm4b:s6+s2] =	stream.indirect_vreg.scatter [tilespmem:s20], [sflag:$0x2], $0x80, v4, vm0, $0xb8;
	[tilespmem:$0x10100] =	vst v63  }
0xbb: {  	s20 =	simm.s32 $0xE100  }
0xbc: {  	[hbm4b:s3+s2] =	stream.indirect_vreg.scatter [tilespmem:s20], [sflag:$0x2], $0x80, v3, vm0, $0xb8;
	[tilespmem:$0x10100] =	vst v63  }
0xbd: {  	s20 =	simm.s32 $0xE900  }
0xbe: {  	[hbm4b:s4+s2] =	stream.indirect_vreg.scatter [tilespmem:s20], [sflag:$0x2], $0x80, v3, vm0, $0xb8;
	[tilespmem:$0x10100] =	vst v63  }
0xbf: {  	s20 =	simm.s32 $0xF100  }
0xc0: {  	[hbm4b:s5+s2] =	stream.indirect_vreg.scatter [tilespmem:s20], [sflag:$0x2], $0x80, v3, vm0, $0xb8;
	[tilespmem:$0x10100] =	vst v63  }
0xc1: {  	s20 =	simm.s32 $0xF900  }
0xc2: {  	[hbm4b:s6+s2] =	stream.indirect_vreg.scatter [tilespmem:s20], [sflag:$0x2], $0x80, v3, vm0, $0xb8;
	[tilespmem:$0x10100] =	vst v63  }
0xc3: {  	s20 =	simm.s32 $0x1  }
0xc4: {  	p0 =	sne.s32 s7, $0x1;
	_ =	swait.ge [sflag:s20], $0x10000  }
.Ltmp0:
0xc5: {  	[sflag:s20] =	ssyncset.done $0x0;
	(pc) =	sbr.rel @p0 .LBB2_1-.Ltmp0, $4  }
0xc6: {  	[sflag:s20] =	ssyncadd.s32 $0xFFFF0000;
	s20 =	simm.s32 $0x2  }
0xc7: {  	_ =	swait.ge [sflag:s20], $0x10000  }
0xc8: {  	[sflag:s20] =	ssyncset.done $0x0  }
0xc9: {  	s7 =	sadd.s32 $0xFFFFFFFF, s7;
	[sflag:s20] =	ssyncadd.s32 $0xFFFF0000  }
0xca: {  	_ =	sfence.sel $0x180000  }
0xcb: {  	[bflag:$0x0] =	sbarrier.arrive $0xFFFF  }
0xcc: {  	_ =	strace $0x90000047  }
0xcd: {  	s0 =	stileid.u32;
	[bflag:$0x2] =	sbarrier.arrive $0xFFFF  }
0xce: {  	p0 =	sne.s32 s0, $0x0;
	s0 =	rddreg [dreg:$0x2]  }
0xcf: {  	s0 =	sadd.s32 @!p0 $0x100000, s0  }
0xd0: {  	[sflag:s0] =	ssyncadd.tile.s32 @!p0 $0x1;
	_ =	shalt  }
.Lfunc_end2:
_tile_overlayer_lowered:
.L_overlay_start_2:
0xd1: {  	(tag) =	ssettag $0x2  }
0xd2: {  	s0 =	rddreg [dreg:$0x0];
	s2 =	stileid.u32  }
0xd3: {  	s1 =	rddreg [dreg:$0x1];
	p0 =	sne.s32 s2, $0x0  }
0xd4: {  	s3 =	rddreg [dreg:$0x2];
	[bflag:$0x3] =	sbarrier.arrive $0xFFFF;
	s2 =	simm.s32 @!p0 $0x1C03  }
0xd5: {  	[timem:s3], [sflag:s2] =	dma.local @!p0 [hbm:s0], s1  }
0xd6: {  	s0 =	simm.s32 @!p0 $0x3  }
0xd7: {  	_ =	swait.ge @!p0 [sflag:s0], s1  }
0xd8: {  	s1 =	ssub.s32 @!p0 $0x0, s1;
	[sflag:s0] =	ssyncset.done @!p0 $0x0  }
0xd9: {  	[sflag:s0] =	ssyncadd.s32 @!p0 s1  }
0xda: {  	[bflag:$0x3] =	sbarrier.arrive $0xFFFF  }
0xdb: {  	_ =	shalt  }

</sc_bundles>
